<compile_context>
chip_gen: v7x
topology: tpu7x:2x2x1
jax: 0.10.2.dev20260603
libtpu: 0.0.44.dev20260713+nightly
codegen_flags: <defaults>
</compile_context>

<pallas_src>
import functools

import jax
import jax.numpy as jnp
from jax import lax
from jax.experimental import pallas as pl
from jax.experimental.pallas import tpu as pltpu
from jax.experimental.pallas import tpu_sc as plsc

_PERIOD = 4096
_ROWS = 16384
_D = 2048
_NC = 2
_NS = 16
_NW = _NC * _NS
_ROWS_PER_W = _ROWS // _NW
_W_PER_GROUP = _PERIOD // _ROWS_PER_W
_B = 8
_NBUF = 4
_STEPS = _ROWS_PER_W // _B
_NGRP = _STEPS // _NBUF


@functools.partial(
    pl.kernel,
    mesh=plsc.VectorSubcoreMesh(core_axis_name="c", subcore_axis_name="s"),
    out_type=jax.ShapeDtypeStruct((_ROWS // _PERIOD, _PERIOD, _D), jnp.float32),
    scratch_types=(
        [pltpu.VMEM_SHARED((_NS, _NBUF, _B, _D), jnp.float32)]
        + [pltpu.SemaphoreType.DMA for _ in range(2 * _NBUF)]
    ),
)
def _gather_view(x_hbm, out_hbm, shared, *sems):
    rsems = sems[:_NBUF]
    wsems = sems[_NBUF:]
    s = lax.axis_index("s")
    wid = s * _NC + lax.axis_index("c")
    g = wid // _W_PER_GROUP
    off = (wid % _W_PER_GROUP) * _ROWS_PER_W
    base = wid * _ROWS_PER_W

    def read(i, b):
        return pltpu.make_async_copy(
            x_hbm.at[pl.ds(base + i * _B, _B)], shared.at[s, b], rsems[b])

    def write(i, b):
        return pltpu.make_async_copy(
            shared.at[s, b], out_hbm.at[g, pl.ds(off + i * _B, _B)], wsems[b])

    read(0, 0).start()
    read(1, 1).start()

    read(0, 0).wait(); write(0, 0).start(); read(2, 2).start()
    read(1, 1).wait(); write(1, 1).start(); read(3, 3).start()
    read(2, 2).wait(); write(2, 2).start(); write(0, 0).wait(); read(4, 0).start()
    read(3, 3).wait(); write(3, 3).start(); write(1, 1).wait(); read(5, 1).start()

    @pl.loop(1, _NGRP - 1)
    def _loop(t):
        i0 = t * _NBUF
        for b in range(_NBUF):
            i = i0 + b
            read(i, b).wait()
            write(i, b).start()
            write(i, (b + 2) % _NBUF).wait()
            read(i + 2, (b + 2) % _NBUF).start()

    i0 = (_NGRP - 1) * _NBUF
    read(i0 + 0, 0).wait(); write(i0 + 0, 0).start(); write(i0 - 2, 2).wait(); read(i0 + 2, 2).start()
    read(i0 + 1, 1).wait(); write(i0 + 1, 1).start(); write(i0 - 1, 3).wait(); read(i0 + 3, 3).start()
    read(i0 + 2, 2).wait(); write(i0 + 2, 2).start(); write(i0 + 0, 0).wait()
    read(i0 + 3, 3).wait(); write(i0 + 3, 3).start(); write(i0 + 1, 1).wait()
    write(i0 + 2, 2).wait()
    write(i0 + 3, 3).wait()


def kernel(x):
    return _gather_view(x)

# --- scband reference (transcript-rebuilt; emitter-appended) ---
"""Pipeline reference for scband-gather-and-view-936302871117 (READ-ONLY COPY).

The authoritative reference and input builder live on the scoring server;
editing this copy changes nothing except your own understanding.
"""

import jax, jax.numpy as jnp
import numpy as np

PERIOD = 4096
INPUT_LENGTH = 16384
D_MODEL = 2048

def setup_inputs(seed: int = 0) -> dict:
    key = jax.random.key(seed)
    x = jax.random.normal(key, (INPUT_LENGTH, D_MODEL), dtype=jnp.float32)
    return {"x": x}

def reference(x):
    # GatherAndView.forward: gather (NoopGather -> identity) then ViewWithPeriod
    # view shape = [-1, period, *x.shape[1:]]
    g = x  # NoopGather
    out = g.reshape((-1, PERIOD) + g.shape[1:])
    return out

if __name__ == "__main__":
    import jax
    _d = setup_inputs()
    print(jax.jit(kernel)(*tuple(_d.values())))

</pallas_src>

<mosaic_0001>
#map = affine_map<(d0, d1) -> (0, 0)>
#map1 = affine_map<(d0, d1) -> (0, 0, 0)>
module attributes {stable_mosaic.version = 14 : i64} {
  func.func @_gather_view(%arg0: i32, %arg1: i32, %arg2: memref<16384x2048xf32, #tpu.memory_space<hbm>>, %arg3: memref<4x4096x2048xf32, #tpu.memory_space<hbm>>, %arg4: memref<16x4x8x2048xf32, #tpu.memory_space<vmem_shared>>, %arg5: memref<!tpu.dma_semaphore, #tpu.memory_space<semaphore_mem>>, %arg6: memref<!tpu.dma_semaphore, #tpu.memory_space<semaphore_mem>>, %arg7: memref<!tpu.dma_semaphore, #tpu.memory_space<semaphore_mem>>, %arg8: memref<!tpu.dma_semaphore, #tpu.memory_space<semaphore_mem>>, %arg9: memref<!tpu.dma_semaphore, #tpu.memory_space<semaphore_mem>>, %arg10: memref<!tpu.dma_semaphore, #tpu.memory_space<semaphore_mem>>, %arg11: memref<!tpu.dma_semaphore, #tpu.memory_space<semaphore_mem>>, %arg12: memref<!tpu.dma_semaphore, #tpu.memory_space<semaphore_mem>>) attributes {dimension_semantics = [#tpu.dimension_semantics<core_parallel>, #tpu.dimension_semantics<subcore_parallel>], iteration_bounds = array<i64: 2, 16>, scalar_prefetch = 0 : i64, scratch_operands = 9 : i64, tpu.core_type = #tpu.core_type<sc_vector_subcore>, window_params = [{transform_indices = #map}, {transform_indices = #map1}]} {
    %mul3A = arith.constant 2 : i32
    %mul3A_0 = arith.muli %arg1, %mul3A : i32
    %add3A = arith.addi %mul3A_0, %arg0 : i32
    %jit3A = arith.constant 8 : i32
    %div3A = arith.divsi %add3A, %jit3A : i32
    %sign3A = arith.constant 0 : i32
    %sign3A_1 = arith.cmpi sgt, %add3A, %sign3A : i32
    %sign3A_2 = arith.extui %sign3A_1 : i1 to i32
    %sign3A_3 = arith.constant 0 : i32
    %sign3A_4 = arith.cmpi slt, %add3A, %sign3A_3 : i32
    %sign3A_5 = arith.extui %sign3A_4 : i1 to i32
    %sign3A_6 = arith.subi %sign3A_2, %sign3A_5 : i32
    %sign3A_7 = arith.constant 0 : i32
    %sign3A_8 = arith.cmpi sgt, %jit3A, %sign3A_7 : i32
    %sign3A_9 = arith.extui %sign3A_8 : i1 to i32
    %sign3A_10 = arith.constant 0 : i32
    %sign3A_11 = arith.cmpi slt, %jit3A, %sign3A_10 : i32
    %sign3A_12 = arith.extui %sign3A_11 : i1 to i32
    %sign3A_13 = arith.subi %sign3A_9, %sign3A_12 : i32
    %ne3A = arith.cmpi ne, %sign3A_6, %sign3A_13 : i32
    %rem3A = arith.remsi %add3A, %jit3A : i32
    %ne3A_14 = arith.constant 0 : i32
    %ne3A_15 = arith.cmpi ne, %rem3A, %ne3A_14 : i32
    %and3A = arith.andi %ne3A, %ne3A_15 : i1
    %sub3A = arith.constant 1 : i32
    %sub3A_16 = arith.subi %div3A, %sub3A : i32
    %select_n3A = arith.select %and3A, %sub3A_16, %div3A : i32
    %jit3A_17 = arith.constant 8 : i32
    %eq3A = arith.constant 0 : i32
    %eq3A_18 = arith.cmpi eq, %jit3A_17, %eq3A : i32
    %jit3A_19 = arith.constant 1 : i32
    %select_n3A_20 = arith.select %eq3A_18, %jit3A_19, %jit3A_17 : i32
    %rem3A_21 = arith.remsi %add3A, %select_n3A_20 : i32
    %ne3A_22 = arith.constant 0 : i32
    %ne3A_23 = arith.cmpi ne, %rem3A_21, %ne3A_22 : i32
    %lt3A = arith.constant 0 : i32
    %lt3A_24 = arith.cmpi slt, %rem3A_21, %lt3A : i32
    %lt3A_25 = arith.constant 0 : i32
    %lt3A_26 = arith.cmpi slt, %select_n3A_20, %lt3A_25 : i32
    %ne3A_27 = arith.xori %lt3A_24, %lt3A_26 : i1
    %and3A_28 = arith.andi %ne3A_27, %ne3A_23 : i1
    %add3A_29 = arith.addi %rem3A_21, %select_n3A_20 : i32
    %select_n3A_30 = arith.select %and3A_28, %add3A_29, %rem3A_21 : i32
    %mul3A_31 = arith.constant 512 : i32
    %mul3A_32 = arith.muli %select_n3A_30, %mul3A_31 : i32
    %mul3A_33 = arith.constant 512 : i32
    %mul3A_34 = arith.muli %add3A, %mul3A_33 : i32
    %add3A_35 = arith.constant 0 : i32
    %add3A_36 = arith.addi %mul3A_34, %add3A_35 : i32
    %dma_start3A = arith.constant 0 : i32
    %dma_start3A_37 = arith.constant 0 : i32
    %dma_start3A_38 = arith.constant 0 : i32
    %dma_start3A_39 = tpu.memref_slice %arg4[%arg1, %dma_start3A, %dma_start3A_37, %dma_start3A_38] : memref<16x4x8x2048xf32, #tpu.memory_space<vmem_shared>> -> memref<1x1x8x2048xf32, #tpu.memory_space<vmem_shared>>
    %dma_start3A_40 = tpu.memref_squeeze %dma_start3A_39 : memref<1x1x8x2048xf32, #tpu.memory_space<vmem_shared>> -> memref<8x2048xf32, #tpu.memory_space<vmem_shared>>
    %dma_start3A_41 = arith.constant 0 : i32
    %dma_start3A_42 = tpu.memref_slice %arg2[%add3A_36, %dma_start3A_41] : memref<16384x2048xf32, #tpu.memory_space<hbm>> -> memref<8x2048xf32, #tpu.memory_space<hbm>>
    tpu.enqueue_dma source(%dma_start3A_42 : memref<8x2048xf32, #tpu.memory_space<hbm>>) target(%dma_start3A_40 : memref<8x2048xf32, #tpu.memory_space<vmem_shared>>) target_semaphore(%arg5 : memref<!tpu.dma_semaphore, #tpu.memory_space<semaphore_mem>>)
    %add3A_43 = arith.constant 8 : i32
    %add3A_44 = arith.addi %mul3A_34, %add3A_43 : i32
    %dma_start3A_45 = arith.constant 1 : i32
    %dma_start3A_46 = arith.constant 0 : i32
    %dma_start3A_47 = arith.constant 0 : i32
    %dma_start3A_48 = tpu.memref_slice %arg4[%arg1, %dma_start3A_45, %dma_start3A_46, %dma_start3A_47] : memref<16x4x8x2048xf32, #tpu.memory_space<vmem_shared>> -> memref<1x1x8x2048xf32, #tpu.memory_space<vmem_shared>>
    %dma_start3A_49 = tpu.memref_squeeze %dma_start3A_48 : memref<1x1x8x2048xf32, #tpu.memory_space<vmem_shared>> -> memref<8x2048xf32, #tpu.memory_space<vmem_shared>>
    %dma_start3A_50 = arith.constant 0 : i32
    %dma_start3A_51 = tpu.memref_slice %arg2[%add3A_44, %dma_start3A_50] : memref<16384x2048xf32, #tpu.memory_space<hbm>> -> memref<8x2048xf32, #tpu.memory_space<hbm>>
    tpu.enqueue_dma source(%dma_start3A_51 : memref<8x2048xf32, #tpu.memory_space<hbm>>) target(%dma_start3A_49 : memref<8x2048xf32, #tpu.memory_space<vmem_shared>>) target_semaphore(%arg6 : memref<!tpu.dma_semaphore, #tpu.memory_space<semaphore_mem>>)
    %add3A_52 = arith.constant 0 : i32
    %add3A_53 = arith.addi %mul3A_34, %add3A_52 : i32
    %dma_wait3A = arith.constant 0 : i32
    %dma_wait3A_54 = arith.constant 0 : i32
    %dma_wait3A_55 = arith.constant 0 : i32
    %dma_wait3A_56 = tpu.memref_slice %arg4[%arg1, %dma_wait3A, %dma_wait3A_54, %dma_wait3A_55] : memref<16x4x8x2048xf32, #tpu.memory_space<vmem_shared>> -> memref<1x1x8x2048xf32, #tpu.memory_space<vmem_shared>>
    %dma_wait3A_57 = tpu.memref_squeeze %dma_wait3A_56 : memref<1x1x8x2048xf32, #tpu.memory_space<vmem_shared>> -> memref<8x2048xf32, #tpu.memory_space<vmem_shared>>
    %dma_wait3A_58 = arith.constant 0 : i32
    %dma_wait3A_59 = tpu.memref_slice %arg2[%add3A_53, %dma_wait3A_58] : memref<16384x2048xf32, #tpu.memory_space<hbm>> -> memref<8x2048xf32, #tpu.memory_space<hbm>>
    tpu.wait_dma2 semaphore(%arg5 : memref<!tpu.dma_semaphore, #tpu.memory_space<semaphore_mem>>) src(%dma_wait3A_59 : memref<8x2048xf32, #tpu.memory_space<hbm>>) dst(%dma_wait3A_57 : memref<8x2048xf32, #tpu.memory_space<vmem_shared>>)
    %add3A_60 = arith.constant 0 : i32
    %add3A_61 = arith.addi %mul3A_32, %add3A_60 : i32
    %dma_start3A_62 = arith.constant 0 : i32
    %dma_start3A_63 = arith.constant 0 : i32
    %dma_start3A_64 = tpu.memref_slice %arg3[%select_n3A, %add3A_61, %dma_start3A_63] : memref<4x4096x2048xf32, #tpu.memory_space<hbm>> -> memref<1x8x2048xf32, #tpu.memory_space<hbm>>
    %dma_start3A_65 = tpu.memref_squeeze %dma_start3A_64 : memref<1x8x2048xf32, #tpu.memory_space<hbm>> -> memref<8x2048xf32, #tpu.memory_space<hbm>>
    %dma_start3A_66 = arith.constant 0 : i32
    %dma_start3A_67 = arith.constant 0 : i32
    %dma_start3A_68 = tpu.memref_slice %arg4[%arg1, %dma_start3A_62, %dma_start3A_66, %dma_start3A_67] : memref<16x4x8x2048xf32, #tpu.memory_space<vmem_shared>> -> memref<1x1x8x2048xf32, #tpu.memory_space<vmem_shared>>
    %dma_start3A_69 = tpu.memref_squeeze %dma_start3A_68 : memref<1x1x8x2048xf32, #tpu.memory_space<vmem_shared>> -> memref<8x2048xf32, #tpu.memory_space<vmem_shared>>
    tpu.enqueue_dma source(%dma_start3A_69 : memref<8x2048xf32, #tpu.memory_space<vmem_shared>>) target(%dma_start3A_65 : memref<8x2048xf32, #tpu.memory_space<hbm>>) target_semaphore(%arg9 : memref<!tpu.dma_semaphore, #tpu.memory_space<semaphore_mem>>)
    %add3A_70 = arith.constant 16 : i32
    %add3A_71 = arith.addi %mul3A_34, %add3A_70 : i32
    %dma_start3A_72 = arith.constant 2 : i32
    %dma_start3A_73 = arith.constant 0 : i32
    %dma_start3A_74 = arith.constant 0 : i32
    %dma_start3A_75 = tpu.memref_slice %arg4[%arg1, %dma_start3A_72, %dma_start3A_73, %dma_start3A_74] : memref<16x4x8x2048xf32, #tpu.memory_space<vmem_shared>> -> memref<1x1x8x2048xf32, #tpu.memory_space<vmem_shared>>
    %dma_start3A_76 = tpu.memref_squeeze %dma_start3A_75 : memref<1x1x8x2048xf32, #tpu.memory_space<vmem_shared>> -> memref<8x2048xf32, #tpu.memory_space<vmem_shared>>
    %dma_start3A_77 = arith.constant 0 : i32
    %dma_start3A_78 = tpu.memref_slice %arg2[%add3A_71, %dma_start3A_77] : memref<16384x2048xf32, #tpu.memory_space<hbm>> -> memref<8x2048xf32, #tpu.memory_space<hbm>>
    tpu.enqueue_dma source(%dma_start3A_78 : memref<8x2048xf32, #tpu.memory_space<hbm>>) target(%dma_start3A_76 : memref<8x2048xf32, #tpu.memory_space<vmem_shared>>) target_semaphore(%arg7 : memref<!tpu.dma_semaphore, #tpu.memory_space<semaphore_mem>>)
    %add3A_79 = arith.constant 8 : i32
    %add3A_80 = arith.addi %mul3A_34, %add3A_79 : i32
    %dma_wait3A_81 = arith.constant 1 : i32
    %dma_wait3A_82 = arith.constant 0 : i32
    %dma_wait3A_83 = arith.constant 0 : i32
    %dma_wait3A_84 = tpu.memref_slice %arg4[%arg1, %dma_wait3A_81, %dma_wait3A_82, %dma_wait3A_83] : memref<16x4x8x2048xf32, #tpu.memory_space<vmem_shared>> -> memref<1x1x8x2048xf32, #tpu.memory_space<vmem_shared>>
    %dma_wait3A_85 = tpu.memref_squeeze %dma_wait3A_84 : memref<1x1x8x2048xf32, #tpu.memory_space<vmem_shared>> -> memref<8x2048xf32, #tpu.memory_space<vmem_shared>>
    %dma_wait3A_86 = arith.constant 0 : i32
    %dma_wait3A_87 = tpu.memref_slice %arg2[%add3A_80, %dma_wait3A_86] : memref<16384x2048xf32, #tpu.memory_space<hbm>> -> memref<8x2048xf32, #tpu.memory_space<hbm>>
    tpu.wait_dma2 semaphore(%arg6 : memref<!tpu.dma_semaphore, #tpu.memory_space<semaphore_mem>>) src(%dma_wait3A_87 : memref<8x2048xf32, #tpu.memory_space<hbm>>) dst(%dma_wait3A_85 : memref<8x2048xf32, #tpu.memory_space<vmem_shared>>)
    %add3A_88 = arith.constant 8 : i32
    %add3A_89 = arith.addi %mul3A_32, %add3A_88 : i32
    %dma_start3A_90 = arith.constant 1 : i32
    %dma_start3A_91 = arith.constant 0 : i32
    %dma_start3A_92 = tpu.memref_slice %arg3[%select_n3A, %add3A_89, %dma_start3A_91] : memref<4x4096x2048xf32, #tpu.memory_space<hbm>> -> memref<1x8x2048xf32, #tpu.memory_space<hbm>>
    %dma_start3A_93 = tpu.memref_squeeze %dma_start3A_92 : memref<1x8x2048xf32, #tpu.memory_space<hbm>> -> memref<8x2048xf32, #tpu.memory_space<hbm>>
    %dma_start3A_94 = arith.constant 0 : i32
    %dma_start3A_95 = arith.constant 0 : i32
    %dma_start3A_96 = tpu.memref_slice %arg4[%arg1, %dma_start3A_90, %dma_start3A_94, %dma_start3A_95] : memref<16x4x8x2048xf32, #tpu.memory_space<vmem_shared>> -> memref<1x1x8x2048xf32, #tpu.memory_space<vmem_shared>>
    %dma_start3A_97 = tpu.memref_squeeze %dma_start3A_96 : memref<1x1x8x2048xf32, #tpu.memory_space<vmem_shared>> -> memref<8x2048xf32, #tpu.memory_space<vmem_shared>>
    tpu.enqueue_dma source(%dma_start3A_97 : memref<8x2048xf32, #tpu.memory_space<vmem_shared>>) target(%dma_start3A_93 : memref<8x2048xf32, #tpu.memory_space<hbm>>) target_semaphore(%arg10 : memref<!tpu.dma_semaphore, #tpu.memory_space<semaphore_mem>>)
    %add3A_98 = arith.constant 24 : i32
    %add3A_99 = arith.addi %mul3A_34, %add3A_98 : i32
    %dma_start3A_100 = arith.constant 3 : i32
    %dma_start3A_101 = arith.constant 0 : i32
    %dma_start3A_102 = arith.constant 0 : i32
    %dma_start3A_103 = tpu.memref_slice %arg4[%arg1, %dma_start3A_100, %dma_start3A_101, %dma_start3A_102] : memref<16x4x8x2048xf32, #tpu.memory_space<vmem_shared>> -> memref<1x1x8x2048xf32, #tpu.memory_space<vmem_shared>>
    %dma_start3A_104 = tpu.memref_squeeze %dma_start3A_103 : memref<1x1x8x2048xf32, #tpu.memory_space<vmem_shared>> -> memref<8x2048xf32, #tpu.memory_space<vmem_shared>>
    %dma_start3A_105 = arith.constant 0 : i32
    %dma_start3A_106 = tpu.memref_slice %arg2[%add3A_99, %dma_start3A_105] : memref<16384x2048xf32, #tpu.memory_space<hbm>> -> memref<8x2048xf32, #tpu.memory_space<hbm>>
    tpu.enqueue_dma source(%dma_start3A_106 : memref<8x2048xf32, #tpu.memory_space<hbm>>) target(%dma_start3A_104 : memref<8x2048xf32, #tpu.memory_space<vmem_shared>>) target_semaphore(%arg8 : memref<!tpu.dma_semaphore, #tpu.memory_space<semaphore_mem>>)
    %add3A_107 = arith.constant 16 : i32
    %add3A_108 = arith.addi %mul3A_34, %add3A_107 : i32
    %dma_wait3A_109 = arith.constant 2 : i32
    %dma_wait3A_110 = arith.constant 0 : i32
    %dma_wait3A_111 = arith.constant 0 : i32
    %dma_wait3A_112 = tpu.memref_slice %arg4[%arg1, %dma_wait3A_109, %dma_wait3A_110, %dma_wait3A_111] : memref<16x4x8x2048xf32, #tpu.memory_space<vmem_shared>> -> memref<1x1x8x2048xf32, #tpu.memory_space<vmem_shared>>
    %dma_wait3A_113 = tpu.memref_squeeze %dma_wait3A_112 : memref<1x1x8x2048xf32, #tpu.memory_space<vmem_shared>> -> memref<8x2048xf32, #tpu.memory_space<vmem_shared>>
    %dma_wait3A_114 = arith.constant 0 : i32
    %dma_wait3A_115 = tpu.memref_slice %arg2[%add3A_108, %dma_wait3A_114] : memref<16384x2048xf32, #tpu.memory_space<hbm>> -> memref<8x2048xf32, #tpu.memory_space<hbm>>
    tpu.wait_dma2 semaphore(%arg7 : memref<!tpu.dma_semaphore, #tpu.memory_space<semaphore_mem>>) src(%dma_wait3A_115 : memref<8x2048xf32, #tpu.memory_space<hbm>>) dst(%dma_wait3A_113 : memref<8x2048xf32, #tpu.memory_space<vmem_shared>>)
    %add3A_116 = arith.constant 16 : i32
    %add3A_117 = arith.addi %mul3A_32, %add3A_116 : i32
    %dma_start3A_118 = arith.constant 2 : i32
    %dma_start3A_119 = arith.constant 0 : i32
    %dma_start3A_120 = tpu.memref_slice %arg3[%select_n3A, %add3A_117, %dma_start3A_119] : memref<4x4096x2048xf32, #tpu.memory_space<hbm>> -> memref<1x8x2048xf32, #tpu.memory_space<hbm>>
    %dma_start3A_121 = tpu.memref_squeeze %dma_start3A_120 : memref<1x8x2048xf32, #tpu.memory_space<hbm>> -> memref<8x2048xf32, #tpu.memory_space<hbm>>
    %dma_start3A_122 = arith.constant 0 : i32
    %dma_start3A_123 = arith.constant 0 : i32
    %dma_start3A_124 = tpu.memref_slice %arg4[%arg1, %dma_start3A_118, %dma_start3A_122, %dma_start3A_123] : memref<16x4x8x2048xf32, #tpu.memory_space<vmem_shared>> -> memref<1x1x8x2048xf32, #tpu.memory_space<vmem_shared>>
    %dma_start3A_125 = tpu.memref_squeeze %dma_start3A_124 : memref<1x1x8x2048xf32, #tpu.memory_space<vmem_shared>> -> memref<8x2048xf32, #tpu.memory_space<vmem_shared>>
    tpu.enqueue_dma source(%dma_start3A_125 : memref<8x2048xf32, #tpu.memory_space<vmem_shared>>) target(%dma_start3A_121 : memref<8x2048xf32, #tpu.memory_space<hbm>>) target_semaphore(%arg11 : memref<!tpu.dma_semaphore, #tpu.memory_space<semaphore_mem>>)
    %add3A_126 = arith.constant 0 : i32
    %add3A_127 = arith.addi %mul3A_32, %add3A_126 : i32
    %dma_wait3A_128 = arith.constant 0 : i32
    %dma_wait3A_129 = arith.constant 0 : i32
    %dma_wait3A_130 = tpu.memref_slice %arg3[%select_n3A, %add3A_127, %dma_wait3A_129] : memref<4x4096x2048xf32, #tpu.memory_space<hbm>> -> memref<1x8x2048xf32, #tpu.memory_space<hbm>>
    %dma_wait3A_131 = tpu.memref_squeeze %dma_wait3A_130 : memref<1x8x2048xf32, #tpu.memory_space<hbm>> -> memref<8x2048xf32, #tpu.memory_space<hbm>>
    %dma_wait3A_132 = arith.constant 0 : i32
    %dma_wait3A_133 = arith.constant 0 : i32
    %dma_wait3A_134 = tpu.memref_slice %arg4[%arg1, %dma_wait3A_128, %dma_wait3A_132, %dma_wait3A_133] : memref<16x4x8x2048xf32, #tpu.memory_space<vmem_shared>> -> memref<1x1x8x2048xf32, #tpu.memory_space<vmem_shared>>
    %dma_wait3A_135 = tpu.memref_squeeze %dma_wait3A_134 : memref<1x1x8x2048xf32, #tpu.memory_space<vmem_shared>> -> memref<8x2048xf32, #tpu.memory_space<vmem_shared>>
    tpu.wait_dma2 semaphore(%arg9 : memref<!tpu.dma_semaphore, #tpu.memory_space<semaphore_mem>>) src(%dma_wait3A_135 : memref<8x2048xf32, #tpu.memory_space<vmem_shared>>) dst(%dma_wait3A_131 : memref<8x2048xf32, #tpu.memory_space<hbm>>)
    %add3A_136 = arith.constant 32 : i32
    %add3A_137 = arith.addi %mul3A_34, %add3A_136 : i32
    %dma_start3A_138 = arith.constant 0 : i32
    %dma_start3A_139 = arith.constant 0 : i32
    %dma_start3A_140 = arith.constant 0 : i32
    %dma_start3A_141 = tpu.memref_slice %arg4[%arg1, %dma_start3A_138, %dma_start3A_139, %dma_start3A_140] : memref<16x4x8x2048xf32, #tpu.memory_space<vmem_shared>> -> memref<1x1x8x2048xf32, #tpu.memory_space<vmem_shared>>
    %dma_start3A_142 = tpu.memref_squeeze %dma_start3A_141 : memref<1x1x8x2048xf32, #tpu.memory_space<vmem_shared>> -> memref<8x2048xf32, #tpu.memory_space<vmem_shared>>
    %dma_start3A_143 = arith.constant 0 : i32
    %dma_start3A_144 = tpu.memref_slice %arg2[%add3A_137, %dma_start3A_143] : memref<16384x2048xf32, #tpu.memory_space<hbm>> -> memref<8x2048xf32, #tpu.memory_space<hbm>>
    tpu.enqueue_dma source(%dma_start3A_144 : memref<8x2048xf32, #tpu.memory_space<hbm>>) target(%dma_start3A_142 : memref<8x2048xf32, #tpu.memory_space<vmem_shared>>) target_semaphore(%arg5 : memref<!tpu.dma_semaphore, #tpu.memory_space<semaphore_mem>>)
    %add3A_145 = arith.constant 24 : i32
    %add3A_146 = arith.addi %mul3A_34, %add3A_145 : i32
    %dma_wait3A_147 = arith.constant 3 : i32
    %dma_wait3A_148 = arith.constant 0 : i32
    %dma_wait3A_149 = arith.constant 0 : i32
    %dma_wait3A_150 = tpu.memref_slice %arg4[%arg1, %dma_wait3A_147, %dma_wait3A_148, %dma_wait3A_149] : memref<16x4x8x2048xf32, #tpu.memory_space<vmem_shared>> -> memref<1x1x8x2048xf32, #tpu.memory_space<vmem_shared>>
    %dma_wait3A_151 = tpu.memref_squeeze %dma_wait3A_150 : memref<1x1x8x2048xf32, #tpu.memory_space<vmem_shared>> -> memref<8x2048xf32, #tpu.memory_space<vmem_shared>>
    %dma_wait3A_152 = arith.constant 0 : i32
    %dma_wait3A_153 = tpu.memref_slice %arg2[%add3A_146, %dma_wait3A_152] : memref<16384x2048xf32, #tpu.memory_space<hbm>> -> memref<8x2048xf32, #tpu.memory_space<hbm>>
    tpu.wait_dma2 semaphore(%arg8 : memref<!tpu.dma_semaphore, #tpu.memory_space<semaphore_mem>>) src(%dma_wait3A_153 : memref<8x2048xf32, #tpu.memory_space<hbm>>) dst(%dma_wait3A_151 : memref<8x2048xf32, #tpu.memory_space<vmem_shared>>)
    %add3A_154 = arith.constant 24 : i32
    %add3A_155 = arith.addi %mul3A_32, %add3A_154 : i32
    %dma_start3A_156 = arith.constant 3 : i32
    %dma_start3A_157 = arith.constant 0 : i32
    %dma_start3A_158 = tpu.memref_slice %arg3[%select_n3A, %add3A_155, %dma_start3A_157] : memref<4x4096x2048xf32, #tpu.memory_space<hbm>> -> memref<1x8x2048xf32, #tpu.memory_space<hbm>>
    %dma_start3A_159 = tpu.memref_squeeze %dma_start3A_158 : memref<1x8x2048xf32, #tpu.memory_space<hbm>> -> memref<8x2048xf32, #tpu.memory_space<hbm>>
    %dma_start3A_160 = arith.constant 0 : i32
    %dma_start3A_161 = arith.constant 0 : i32
    %dma_start3A_162 = tpu.memref_slice %arg4[%arg1, %dma_start3A_156, %dma_start3A_160, %dma_start3A_161] : memref<16x4x8x2048xf32, #tpu.memory_space<vmem_shared>> -> memref<1x1x8x2048xf32, #tpu.memory_space<vmem_shared>>
    %dma_start3A_163 = tpu.memref_squeeze %dma_start3A_162 : memref<1x1x8x2048xf32, #tpu.memory_space<vmem_shared>> -> memref<8x2048xf32, #tpu.memory_space<vmem_shared>>
    tpu.enqueue_dma source(%dma_start3A_163 : memref<8x2048xf32, #tpu.memory_space<vmem_shared>>) target(%dma_start3A_159 : memref<8x2048xf32, #tpu.memory_space<hbm>>) target_semaphore(%arg12 : memref<!tpu.dma_semaphore, #tpu.memory_space<semaphore_mem>>)
    %add3A_164 = arith.constant 8 : i32
    %add3A_165 = arith.addi %mul3A_32, %add3A_164 : i32
    %dma_wait3A_166 = arith.constant 1 : i32
    %dma_wait3A_167 = arith.constant 0 : i32
    %dma_wait3A_168 = tpu.memref_slice %arg3[%select_n3A, %add3A_165, %dma_wait3A_167] : memref<4x4096x2048xf32, #tpu.memory_space<hbm>> -> memref<1x8x2048xf32, #tpu.memory_space<hbm>>
    %dma_wait3A_169 = tpu.memref_squeeze %dma_wait3A_168 : memref<1x8x2048xf32, #tpu.memory_space<hbm>> -> memref<8x2048xf32, #tpu.memory_space<hbm>>
    %dma_wait3A_170 = arith.constant 0 : i32
    %dma_wait3A_171 = arith.constant 0 : i32
    %dma_wait3A_172 = tpu.memref_slice %arg4[%arg1, %dma_wait3A_166, %dma_wait3A_170, %dma_wait3A_171] : memref<16x4x8x2048xf32, #tpu.memory_space<vmem_shared>> -> memref<1x1x8x2048xf32, #tpu.memory_space<vmem_shared>>
    %dma_wait3A_173 = tpu.memref_squeeze %dma_wait3A_172 : memref<1x1x8x2048xf32, #tpu.memory_space<vmem_shared>> -> memref<8x2048xf32, #tpu.memory_space<vmem_shared>>
    tpu.wait_dma2 semaphore(%arg10 : memref<!tpu.dma_semaphore, #tpu.memory_space<semaphore_mem>>) src(%dma_wait3A_173 : memref<8x2048xf32, #tpu.memory_space<vmem_shared>>) dst(%dma_wait3A_169 : memref<8x2048xf32, #tpu.memory_space<hbm>>)
    %add3A_174 = arith.constant 40 : i32
    %add3A_175 = arith.addi %mul3A_34, %add3A_174 : i32
    %dma_start3A_176 = arith.constant 1 : i32
    %dma_start3A_177 = arith.constant 0 : i32
    %dma_start3A_178 = arith.constant 0 : i32
    %dma_start3A_179 = tpu.memref_slice %arg4[%arg1, %dma_start3A_176, %dma_start3A_177, %dma_start3A_178] : memref<16x4x8x2048xf32, #tpu.memory_space<vmem_shared>> -> memref<1x1x8x2048xf32, #tpu.memory_space<vmem_shared>>
    %dma_start3A_180 = tpu.memref_squeeze %dma_start3A_179 : memref<1x1x8x2048xf32, #tpu.memory_space<vmem_shared>> -> memref<8x2048xf32, #tpu.memory_space<vmem_shared>>
    %dma_start3A_181 = arith.constant 0 : i32
    %dma_start3A_182 = tpu.memref_slice %arg2[%add3A_175, %dma_start3A_181] : memref<16384x2048xf32, #tpu.memory_space<hbm>> -> memref<8x2048xf32, #tpu.memory_space<hbm>>
    tpu.enqueue_dma source(%dma_start3A_182 : memref<8x2048xf32, #tpu.memory_space<hbm>>) target(%dma_start3A_180 : memref<8x2048xf32, #tpu.memory_space<vmem_shared>>) target_semaphore(%arg6 : memref<!tpu.dma_semaphore, #tpu.memory_space<semaphore_mem>>)
    %scan3A = arith.constant 0 : i32
    %scan3A_183 = arith.constant 14 : i32
    %scan3A_184 = arith.addi %scan3A, %scan3A_183 : i32
    %scan3A_185 = arith.constant 1 : i32
    scf.for %scan3A_341 = %scan3A to %scan3A_184 step %scan3A_185  : i32 {
      %mul3A_342 = arith.constant 1 : i32
      %mul3A_343 = arith.muli %scan3A_341, %mul3A_342 : i32
      %add3A_344 = arith.constant 1 : i32
      %add3A_345 = arith.addi %add3A_344, %mul3A_343 : i32
      %mul3A_346 = arith.constant 4 : i32
      %mul3A_347 = arith.muli %add3A_345, %mul3A_346 : i32
      %add3A_348 = arith.constant 0 : i32
      %add3A_349 = arith.addi %mul3A_347, %add3A_348 : i32
      %mul3A_350 = arith.constant 8 : i32
      %mul3A_351 = arith.muli %add3A_349, %mul3A_350 : i32
      %add3A_352 = arith.addi %mul3A_34, %mul3A_351 : i32
      %dma_wait3A_353 = arith.constant 0 : i32
      %dma_wait3A_354 = arith.constant 0 : i32
      %dma_wait3A_355 = arith.constant 0 : i32
      %dma_wait3A_356 = tpu.memref_slice %arg4[%arg1, %dma_wait3A_353, %dma_wait3A_354, %dma_wait3A_355] : memref<16x4x8x2048xf32, #tpu.memory_space<vmem_shared>> -> memref<1x1x8x2048xf32, #tpu.memory_space<vmem_shared>>
      %dma_wait3A_357 = tpu.memref_squeeze %dma_wait3A_356 : memref<1x1x8x2048xf32, #tpu.memory_space<vmem_shared>> -> memref<8x2048xf32, #tpu.memory_space<vmem_shared>>
      %dma_wait3A_358 = arith.constant 0 : i32
      %dma_wait3A_359 = tpu.memref_slice %arg2[%add3A_352, %dma_wait3A_358] : memref<16384x2048xf32, #tpu.memory_space<hbm>> -> memref<8x2048xf32, #tpu.memory_space<hbm>>
      tpu.wait_dma2 semaphore(%arg5 : memref<!tpu.dma_semaphore, #tpu.memory_space<semaphore_mem>>) src(%dma_wait3A_359 : memref<8x2048xf32, #tpu.memory_space<hbm>>) dst(%dma_wait3A_357 : memref<8x2048xf32, #tpu.memory_space<vmem_shared>>)
      %mul3A_360 = arith.constant 8 : i32
      %mul3A_361 = arith.muli %add3A_349, %mul3A_360 : i32
      %add3A_362 = arith.addi %mul3A_32, %mul3A_361 : i32
      %dma_start3A_363 = arith.constant 0 : i32
      %dma_start3A_364 = arith.constant 0 : i32
      %dma_start3A_365 = tpu.memref_slice %arg3[%select_n3A, %add3A_362, %dma_start3A_364] : memref<4x4096x2048xf32, #tpu.memory_space<hbm>> -> memref<1x8x2048xf32, #tpu.memory_space<hbm>>
      %dma_start3A_366 = tpu.memref_squeeze %dma_start3A_365 : memref<1x8x2048xf32, #tpu.memory_space<hbm>> -> memref<8x2048xf32, #tpu.memory_space<hbm>>
      %dma_start3A_367 = arith.constant 0 : i32
      %dma_start3A_368 = arith.constant 0 : i32
      %dma_start3A_369 = tpu.memref_slice %arg4[%arg1, %dma_start3A_363, %dma_start3A_367, %dma_start3A_368] : memref<16x4x8x2048xf32, #tpu.memory_space<vmem_shared>> -> memref<1x1x8x2048xf32, #tpu.memory_space<vmem_shared>>
      %dma_start3A_370 = tpu.memref_squeeze %dma_start3A_369 : memref<1x1x8x2048xf32, #tpu.memory_space<vmem_shared>> -> memref<8x2048xf32, #tpu.memory_space<vmem_shared>>
      tpu.enqueue_dma source(%dma_start3A_370 : memref<8x2048xf32, #tpu.memory_space<vmem_shared>>) target(%dma_start3A_366 : memref<8x2048xf32, #tpu.memory_space<hbm>>) target_semaphore(%arg9 : memref<!tpu.dma_semaphore, #tpu.memory_space<semaphore_mem>>)
      %mul3A_371 = arith.constant 8 : i32
      %mul3A_372 = arith.muli %add3A_349, %mul3A_371 : i32
      %add3A_373 = arith.addi %mul3A_32, %mul3A_372 : i32
      %dma_wait3A_374 = arith.constant 2 : i32
      %dma_wait3A_375 = arith.constant 0 : i32
      %dma_wait3A_376 = tpu.memref_slice %arg3[%select_n3A, %add3A_373, %dma_wait3A_375] : memref<4x4096x2048xf32, #tpu.memory_space<hbm>> -> memref<1x8x2048xf32, #tpu.memory_space<hbm>>
      %dma_wait3A_377 = tpu.memref_squeeze %dma_wait3A_376 : memref<1x8x2048xf32, #tpu.memory_space<hbm>> -> memref<8x2048xf32, #tpu.memory_space<hbm>>
      %dma_wait3A_378 = arith.constant 0 : i32
      %dma_wait3A_379 = arith.constant 0 : i32
      %dma_wait3A_380 = tpu.memref_slice %arg4[%arg1, %dma_wait3A_374, %dma_wait3A_378, %dma_wait3A_379] : memref<16x4x8x2048xf32, #tpu.memory_space<vmem_shared>> -> memref<1x1x8x2048xf32, #tpu.memory_space<vmem_shared>>
      %dma_wait3A_381 = tpu.memref_squeeze %dma_wait3A_380 : memref<1x1x8x2048xf32, #tpu.memory_space<vmem_shared>> -> memref<8x2048xf32, #tpu.memory_space<vmem_shared>>
      tpu.wait_dma2 semaphore(%arg11 : memref<!tpu.dma_semaphore, #tpu.memory_space<semaphore_mem>>) src(%dma_wait3A_381 : memref<8x2048xf32, #tpu.memory_space<vmem_shared>>) dst(%dma_wait3A_377 : memref<8x2048xf32, #tpu.memory_space<hbm>>)
      %add3A_382 = arith.constant 2 : i32
      %add3A_383 = arith.addi %add3A_349, %add3A_382 : i32
      %mul3A_384 = arith.constant 8 : i32
      %mul3A_385 = arith.muli %add3A_383, %mul3A_384 : i32
      %add3A_386 = arith.addi %mul3A_34, %mul3A_385 : i32
      %dma_start3A_387 = arith.constant 2 : i32
      %dma_start3A_388 = arith.constant 0 : i32
      %dma_start3A_389 = arith.constant 0 : i32
      %dma_start3A_390 = tpu.memref_slice %arg4[%arg1, %dma_start3A_387, %dma_start3A_388, %dma_start3A_389] : memref<16x4x8x2048xf32, #tpu.memory_space<vmem_shared>> -> memref<1x1x8x2048xf32, #tpu.memory_space<vmem_shared>>
      %dma_start3A_391 = tpu.memref_squeeze %dma_start3A_390 : memref<1x1x8x2048xf32, #tpu.memory_space<vmem_shared>> -> memref<8x2048xf32, #tpu.memory_space<vmem_shared>>
      %dma_start3A_392 = arith.constant 0 : i32
      %dma_start3A_393 = tpu.memref_slice %arg2[%add3A_386, %dma_start3A_392] : memref<16384x2048xf32, #tpu.memory_space<hbm>> -> memref<8x2048xf32, #tpu.memory_space<hbm>>
      tpu.enqueue_dma source(%dma_start3A_393 : memref<8x2048xf32, #tpu.memory_space<hbm>>) target(%dma_start3A_391 : memref<8x2048xf32, #tpu.memory_space<vmem_shared>>) target_semaphore(%arg7 : memref<!tpu.dma_semaphore, #tpu.memory_space<semaphore_mem>>)
      %add3A_394 = arith.constant 1 : i32
      %add3A_395 = arith.addi %mul3A_347, %add3A_394 : i32
      %mul3A_396 = arith.constant 8 : i32
      %mul3A_397 = arith.muli %add3A_395, %mul3A_396 : i32
      %add3A_398 = arith.addi %mul3A_34, %mul3A_397 : i32
      %dma_wait3A_399 = arith.constant 1 : i32
      %dma_wait3A_400 = arith.constant 0 : i32
      %dma_wait3A_401 = arith.constant 0 : i32
      %dma_wait3A_402 = tpu.memref_slice %arg4[%arg1, %dma_wait3A_399, %dma_wait3A_400, %dma_wait3A_401] : memref<16x4x8x2048xf32, #tpu.memory_space<vmem_shared>> -> memref<1x1x8x2048xf32, #tpu.memory_space<vmem_shared>>
      %dma_wait3A_403 = tpu.memref_squeeze %dma_wait3A_402 : memref<1x1x8x2048xf32, #tpu.memory_space<vmem_shared>> -> memref<8x2048xf32, #tpu.memory_space<vmem_shared>>
      %dma_wait3A_404 = arith.constant 0 : i32
      %dma_wait3A_405 = tpu.memref_slice %arg2[%add3A_398, %dma_wait3A_404] : memref<16384x2048xf32, #tpu.memory_space<hbm>> -> memref<8x2048xf32, #tpu.memory_space<hbm>>
      tpu.wait_dma2 semaphore(%arg6 : memref<!tpu.dma_semaphore, #tpu.memory_space<semaphore_mem>>) src(%dma_wait3A_405 : memref<8x2048xf32, #tpu.memory_space<hbm>>) dst(%dma_wait3A_403 : memref<8x2048xf32, #tpu.memory_space<vmem_shared>>)
      %mul3A_406 = arith.constant 8 : i32
      %mul3A_407 = arith.muli %add3A_395, %mul3A_406 : i32
      %add3A_408 = arith.addi %mul3A_32, %mul3A_407 : i32
      %dma_start3A_409 = arith.constant 1 : i32
      %dma_start3A_410 = arith.constant 0 : i32
      %dma_start3A_411 = tpu.memref_slice %arg3[%select_n3A, %add3A_408, %dma_start3A_410] : memref<4x4096x2048xf32, #tpu.memory_space<hbm>> -> memref<1x8x2048xf32, #tpu.memory_space<hbm>>
      %dma_start3A_412 = tpu.memref_squeeze %dma_start3A_411 : memref<1x8x2048xf32, #tpu.memory_space<hbm>> -> memref<8x2048xf32, #tpu.memory_space<hbm>>
      %dma_start3A_413 = arith.constant 0 : i32
      %dma_start3A_414 = arith.constant 0 : i32
      %dma_start3A_415 = tpu.memref_slice %arg4[%arg1, %dma_start3A_409, %dma_start3A_413, %dma_start3A_414] : memref<16x4x8x2048xf32, #tpu.memory_space<vmem_shared>> -> memref<1x1x8x2048xf32, #tpu.memory_space<vmem_shared>>
      %dma_start3A_416 = tpu.memref_squeeze %dma_start3A_415 : memref<1x1x8x2048xf32, #tpu.memory_space<vmem_shared>> -> memref<8x2048xf32, #tpu.memory_space<vmem_shared>>
      tpu.enqueue_dma source(%dma_start3A_416 : memref<8x2048xf32, #tpu.memory_space<vmem_shared>>) target(%dma_start3A_412 : memref<8x2048xf32, #tpu.memory_space<hbm>>) target_semaphore(%arg10 : memref<!tpu.dma_semaphore, #tpu.memory_space<semaphore_mem>>)
      %mul3A_417 = arith.constant 8 : i32
      %mul3A_418 = arith.muli %add3A_395, %mul3A_417 : i32
      %add3A_419 = arith.addi %mul3A_32, %mul3A_418 : i32
      %dma_wait3A_420 = arith.constant 3 : i32
      %dma_wait3A_421 = arith.constant 0 : i32
      %dma_wait3A_422 = tpu.memref_slice %arg3[%select_n3A, %add3A_419, %dma_wait3A_421] : memref<4x4096x2048xf32, #tpu.memory_space<hbm>> -> memref<1x8x2048xf32, #tpu.memory_space<hbm>>
      %dma_wait3A_423 = tpu.memref_squeeze %dma_wait3A_422 : memref<1x8x2048xf32, #tpu.memory_space<hbm>> -> memref<8x2048xf32, #tpu.memory_space<hbm>>
      %dma_wait3A_424 = arith.constant 0 : i32
      %dma_wait3A_425 = arith.constant 0 : i32
      %dma_wait3A_426 = tpu.memref_slice %arg4[%arg1, %dma_wait3A_420, %dma_wait3A_424, %dma_wait3A_425] : memref<16x4x8x2048xf32, #tpu.memory_space<vmem_shared>> -> memref<1x1x8x2048xf32, #tpu.memory_space<vmem_shared>>
      %dma_wait3A_427 = tpu.memref_squeeze %dma_wait3A_426 : memref<1x1x8x2048xf32, #tpu.memory_space<vmem_shared>> -> memref<8x2048xf32, #tpu.memory_space<vmem_shared>>
      tpu.wait_dma2 semaphore(%arg12 : memref<!tpu.dma_semaphore, #tpu.memory_space<semaphore_mem>>) src(%dma_wait3A_427 : memref<8x2048xf32, #tpu.memory_space<vmem_shared>>) dst(%dma_wait3A_423 : memref<8x2048xf32, #tpu.memory_space<hbm>>)
      %add3A_428 = arith.constant 2 : i32
      %add3A_429 = arith.addi %add3A_395, %add3A_428 : i32
      %mul3A_430 = arith.constant 8 : i32
      %mul3A_431 = arith.muli %add3A_429, %mul3A_430 : i32
      %add3A_432 = arith.addi %mul3A_34, %mul3A_431 : i32
      %dma_start3A_433 = arith.constant 3 : i32
      %dma_start3A_434 = arith.constant 0 : i32
      %dma_start3A_435 = arith.constant 0 : i32
      %dma_start3A_436 = tpu.memref_slice %arg4[%arg1, %dma_start3A_433, %dma_start3A_434, %dma_start3A_435] : memref<16x4x8x2048xf32, #tpu.memory_space<vmem_shared>> -> memref<1x1x8x2048xf32, #tpu.memory_space<vmem_shared>>
      %dma_start3A_437 = tpu.memref_squeeze %dma_start3A_436 : memref<1x1x8x2048xf32, #tpu.memory_space<vmem_shared>> -> memref<8x2048xf32, #tpu.memory_space<vmem_shared>>
      %dma_start3A_438 = arith.constant 0 : i32
      %dma_start3A_439 = tpu.memref_slice %arg2[%add3A_432, %dma_start3A_438] : memref<16384x2048xf32, #tpu.memory_space<hbm>> -> memref<8x2048xf32, #tpu.memory_space<hbm>>
      tpu.enqueue_dma source(%dma_start3A_439 : memref<8x2048xf32, #tpu.memory_space<hbm>>) target(%dma_start3A_437 : memref<8x2048xf32, #tpu.memory_space<vmem_shared>>) target_semaphore(%arg8 : memref<!tpu.dma_semaphore, #tpu.memory_space<semaphore_mem>>)
      %add3A_440 = arith.constant 2 : i32
      %add3A_441 = arith.addi %mul3A_347, %add3A_440 : i32
      %mul3A_442 = arith.constant 8 : i32
      %mul3A_443 = arith.muli %add3A_441, %mul3A_442 : i32
      %add3A_444 = arith.addi %mul3A_34, %mul3A_443 : i32
      %dma_wait3A_445 = arith.constant 2 : i32
      %dma_wait3A_446 = arith.constant 0 : i32
      %dma_wait3A_447 = arith.constant 0 : i32
      %dma_wait3A_448 = tpu.memref_slice %arg4[%arg1, %dma_wait3A_445, %dma_wait3A_446, %dma_wait3A_447] : memref<16x4x8x2048xf32, #tpu.memory_space<vmem_shared>> -> memref<1x1x8x2048xf32, #tpu.memory_space<vmem_shared>>
      %dma_wait3A_449 = tpu.memref_squeeze %dma_wait3A_448 : memref<1x1x8x2048xf32, #tpu.memory_space<vmem_shared>> -> memref<8x2048xf32, #tpu.memory_space<vmem_shared>>
      %dma_wait3A_450 = arith.constant 0 : i32
      %dma_wait3A_451 = tpu.memref_slice %arg2[%add3A_444, %dma_wait3A_450] : memref<16384x2048xf32, #tpu.memory_space<hbm>> -> memref<8x2048xf32, #tpu.memory_space<hbm>>
      tpu.wait_dma2 semaphore(%arg7 : memref<!tpu.dma_semaphore, #tpu.memory_space<semaphore_mem>>) src(%dma_wait3A_451 : memref<8x2048xf32, #tpu.memory_space<hbm>>) dst(%dma_wait3A_449 : memref<8x2048xf32, #tpu.memory_space<vmem_shared>>)
      %mul3A_452 = arith.constant 8 : i32
      %mul3A_453 = arith.muli %add3A_441, %mul3A_452 : i32
      %add3A_454 = arith.addi %mul3A_32, %mul3A_453 : i32
      %dma_start3A_455 = arith.constant 2 : i32
      %dma_start3A_456 = arith.constant 0 : i32
      %dma_start3A_457 = tpu.memref_slice %arg3[%select_n3A, %add3A_454, %dma_start3A_456] : memref<4x4096x2048xf32, #tpu.memory_space<hbm>> -> memref<1x8x2048xf32, #tpu.memory_space<hbm>>
      %dma_start3A_458 = tpu.memref_squeeze %dma_start3A_457 : memref<1x8x2048xf32, #tpu.memory_space<hbm>> -> memref<8x2048xf32, #tpu.memory_space<hbm>>
      %dma_start3A_459 = arith.constant 0 : i32
      %dma_start3A_460 = arith.constant 0 : i32
      %dma_start3A_461 = tpu.memref_slice %arg4[%arg1, %dma_start3A_455, %dma_start3A_459, %dma_start3A_460] : memref<16x4x8x2048xf32, #tpu.memory_space<vmem_shared>> -> memref<1x1x8x2048xf32, #tpu.memory_space<vmem_shared>>
      %dma_start3A_462 = tpu.memref_squeeze %dma_start3A_461 : memref<1x1x8x2048xf32, #tpu.memory_space<vmem_shared>> -> memref<8x2048xf32, #tpu.memory_space<vmem_shared>>
      tpu.enqueue_dma source(%dma_start3A_462 : memref<8x2048xf32, #tpu.memory_space<vmem_shared>>) target(%dma_start3A_458 : memref<8x2048xf32, #tpu.memory_space<hbm>>) target_semaphore(%arg11 : memref<!tpu.dma_semaphore, #tpu.memory_space<semaphore_mem>>)
      %mul3A_463 = arith.constant 8 : i32
      %mul3A_464 = arith.muli %add3A_441, %mul3A_463 : i32
      %add3A_465 = arith.addi %mul3A_32, %mul3A_464 : i32
      %dma_wait3A_466 = arith.constant 0 : i32
      %dma_wait3A_467 = arith.constant 0 : i32
      %dma_wait3A_468 = tpu.memref_slice %arg3[%select_n3A, %add3A_465, %dma_wait3A_467] : memref<4x4096x2048xf32, #tpu.memory_space<hbm>> -> memref<1x8x2048xf32, #tpu.memory_space<hbm>>
      %dma_wait3A_469 = tpu.memref_squeeze %dma_wait3A_468 : memref<1x8x2048xf32, #tpu.memory_space<hbm>> -> memref<8x2048xf32, #tpu.memory_space<hbm>>
      %dma_wait3A_470 = arith.constant 0 : i32
      %dma_wait3A_471 = arith.constant 0 : i32
      %dma_wait3A_472 = tpu.memref_slice %arg4[%arg1, %dma_wait3A_466, %dma_wait3A_470, %dma_wait3A_471] : memref<16x4x8x2048xf32, #tpu.memory_space<vmem_shared>> -> memref<1x1x8x2048xf32, #tpu.memory_space<vmem_shared>>
      %dma_wait3A_473 = tpu.memref_squeeze %dma_wait3A_472 : memref<1x1x8x2048xf32, #tpu.memory_space<vmem_shared>> -> memref<8x2048xf32, #tpu.memory_space<vmem_shared>>
      tpu.wait_dma2 semaphore(%arg9 : memref<!tpu.dma_semaphore, #tpu.memory_space<semaphore_mem>>) src(%dma_wait3A_473 : memref<8x2048xf32, #tpu.memory_space<vmem_shared>>) dst(%dma_wait3A_469 : memref<8x2048xf32, #tpu.memory_space<hbm>>)
      %add3A_474 = arith.constant 2 : i32
      %add3A_475 = arith.addi %add3A_441, %add3A_474 : i32
      %mul3A_476 = arith.constant 8 : i32
      %mul3A_477 = arith.muli %add3A_475, %mul3A_476 : i32
      %add3A_478 = arith.addi %mul3A_34, %mul3A_477 : i32
      %dma_start3A_479 = arith.constant 0 : i32
      %dma_start3A_480 = arith.constant 0 : i32
      %dma_start3A_481 = arith.constant 0 : i32
      %dma_start3A_482 = tpu.memref_slice %arg4[%arg1, %dma_start3A_479, %dma_start3A_480, %dma_start3A_481] : memref<16x4x8x2048xf32, #tpu.memory_space<vmem_shared>> -> memref<1x1x8x2048xf32, #tpu.memory_space<vmem_shared>>
      %dma_start3A_483 = tpu.memref_squeeze %dma_start3A_482 : memref<1x1x8x2048xf32, #tpu.memory_space<vmem_shared>> -> memref<8x2048xf32, #tpu.memory_space<vmem_shared>>
      %dma_start3A_484 = arith.constant 0 : i32
      %dma_start3A_485 = tpu.memref_slice %arg2[%add3A_478, %dma_start3A_484] : memref<16384x2048xf32, #tpu.memory_space<hbm>> -> memref<8x2048xf32, #tpu.memory_space<hbm>>
      tpu.enqueue_dma source(%dma_start3A_485 : memref<8x2048xf32, #tpu.memory_space<hbm>>) target(%dma_start3A_483 : memref<8x2048xf32, #tpu.memory_space<vmem_shared>>) target_semaphore(%arg5 : memref<!tpu.dma_semaphore, #tpu.memory_space<semaphore_mem>>)
      %add3A_486 = arith.constant 3 : i32
      %add3A_487 = arith.addi %mul3A_347, %add3A_486 : i32
      %mul3A_488 = arith.constant 8 : i32
      %mul3A_489 = arith.muli %add3A_487, %mul3A_488 : i32
      %add3A_490 = arith.addi %mul3A_34, %mul3A_489 : i32
      %dma_wait3A_491 = arith.constant 3 : i32
      %dma_wait3A_492 = arith.constant 0 : i32
      %dma_wait3A_493 = arith.constant 0 : i32
      %dma_wait3A_494 = tpu.memref_slice %arg4[%arg1, %dma_wait3A_491, %dma_wait3A_492, %dma_wait3A_493] : memref<16x4x8x2048xf32, #tpu.memory_space<vmem_shared>> -> memref<1x1x8x2048xf32, #tpu.memory_space<vmem_shared>>
      %dma_wait3A_495 = tpu.memref_squeeze %dma_wait3A_494 : memref<1x1x8x2048xf32, #tpu.memory_space<vmem_shared>> -> memref<8x2048xf32, #tpu.memory_space<vmem_shared>>
      %dma_wait3A_496 = arith.constant 0 : i32
      %dma_wait3A_497 = tpu.memref_slice %arg2[%add3A_490, %dma_wait3A_496] : memref<16384x2048xf32, #tpu.memory_space<hbm>> -> memref<8x2048xf32, #tpu.memory_space<hbm>>
      tpu.wait_dma2 semaphore(%arg8 : memref<!tpu.dma_semaphore, #tpu.memory_space<semaphore_mem>>) src(%dma_wait3A_497 : memref<8x2048xf32, #tpu.memory_space<hbm>>) dst(%dma_wait3A_495 : memref<8x2048xf32, #tpu.memory_space<vmem_shared>>)
      %mul3A_498 = arith.constant 8 : i32
      %mul3A_499 = arith.muli %add3A_487, %mul3A_498 : i32
      %add3A_500 = arith.addi %mul3A_32, %mul3A_499 : i32
      %dma_start3A_501 = arith.constant 3 : i32
      %dma_start3A_502 = arith.constant 0 : i32
      %dma_start3A_503 = tpu.memref_slice %arg3[%select_n3A, %add3A_500, %dma_start3A_502] : memref<4x4096x2048xf32, #tpu.memory_space<hbm>> -> memref<1x8x2048xf32, #tpu.memory_space<hbm>>
      %dma_start3A_504 = tpu.memref_squeeze %dma_start3A_503 : memref<1x8x2048xf32, #tpu.memory_space<hbm>> -> memref<8x2048xf32, #tpu.memory_space<hbm>>
      %dma_start3A_505 = arith.constant 0 : i32
      %dma_start3A_506 = arith.constant 0 : i32
      %dma_start3A_507 = tpu.memref_slice %arg4[%arg1, %dma_start3A_501, %dma_start3A_505, %dma_start3A_506] : memref<16x4x8x2048xf32, #tpu.memory_space<vmem_shared>> -> memref<1x1x8x2048xf32, #tpu.memory_space<vmem_shared>>
      %dma_start3A_508 = tpu.memref_squeeze %dma_start3A_507 : memref<1x1x8x2048xf32, #tpu.memory_space<vmem_shared>> -> memref<8x2048xf32, #tpu.memory_space<vmem_shared>>
      tpu.enqueue_dma source(%dma_start3A_508 : memref<8x2048xf32, #tpu.memory_space<vmem_shared>>) target(%dma_start3A_504 : memref<8x2048xf32, #tpu.memory_space<hbm>>) target_semaphore(%arg12 : memref<!tpu.dma_semaphore, #tpu.memory_space<semaphore_mem>>)
      %mul3A_509 = arith.constant 8 : i32
      %mul3A_510 = arith.muli %add3A_487, %mul3A_509 : i32
      %add3A_511 = arith.addi %mul3A_32, %mul3A_510 : i32
      %dma_wait3A_512 = arith.constant 1 : i32
      %dma_wait3A_513 = arith.constant 0 : i32
      %dma_wait3A_514 = tpu.memref_slice %arg3[%select_n3A, %add3A_511, %dma_wait3A_513] : memref<4x4096x2048xf32, #tpu.memory_space<hbm>> -> memref<1x8x2048xf32, #tpu.memory_space<hbm>>
      %dma_wait3A_515 = tpu.memref_squeeze %dma_wait3A_514 : memref<1x8x2048xf32, #tpu.memory_space<hbm>> -> memref<8x2048xf32, #tpu.memory_space<hbm>>
      %dma_wait3A_516 = arith.constant 0 : i32
      %dma_wait3A_517 = arith.constant 0 : i32
      %dma_wait3A_518 = tpu.memref_slice %arg4[%arg1, %dma_wait3A_512, %dma_wait3A_516, %dma_wait3A_517] : memref<16x4x8x2048xf32, #tpu.memory_space<vmem_shared>> -> memref<1x1x8x2048xf32, #tpu.memory_space<vmem_shared>>
      %dma_wait3A_519 = tpu.memref_squeeze %dma_wait3A_518 : memref<1x1x8x2048xf32, #tpu.memory_space<vmem_shared>> -> memref<8x2048xf32, #tpu.memory_space<vmem_shared>>
      tpu.wait_dma2 semaphore(%arg10 : memref<!tpu.dma_semaphore, #tpu.memory_space<semaphore_mem>>) src(%dma_wait3A_519 : memref<8x2048xf32, #tpu.memory_space<vmem_shared>>) dst(%dma_wait3A_515 : memref<8x2048xf32, #tpu.memory_space<hbm>>)
      %add3A_520 = arith.constant 2 : i32
      %add3A_521 = arith.addi %add3A_487, %add3A_520 : i32
      %mul3A_522 = arith.constant 8 : i32
      %mul3A_523 = arith.muli %add3A_521, %mul3A_522 : i32
      %add3A_524 = arith.addi %mul3A_34, %mul3A_523 : i32
      %dma_start3A_525 = arith.constant 1 : i32
      %dma_start3A_526 = arith.constant 0 : i32
      %dma_start3A_527 = arith.constant 0 : i32
      %dma_start3A_528 = tpu.memref_slice %arg4[%arg1, %dma_start3A_525, %dma_start3A_526, %dma_start3A_527] : memref<16x4x8x2048xf32, #tpu.memory_space<vmem_shared>> -> memref<1x1x8x2048xf32, #tpu.memory_space<vmem_shared>>
      %dma_start3A_529 = tpu.memref_squeeze %dma_start3A_528 : memref<1x1x8x2048xf32, #tpu.memory_space<vmem_shared>> -> memref<8x2048xf32, #tpu.memory_space<vmem_shared>>
      %dma_start3A_530 = arith.constant 0 : i32
      %dma_start3A_531 = tpu.memref_slice %arg2[%add3A_524, %dma_start3A_530] : memref<16384x2048xf32, #tpu.memory_space<hbm>> -> memref<8x2048xf32, #tpu.memory_space<hbm>>
      tpu.enqueue_dma source(%dma_start3A_531 : memref<8x2048xf32, #tpu.memory_space<hbm>>) target(%dma_start3A_529 : memref<8x2048xf32, #tpu.memory_space<vmem_shared>>) target_semaphore(%arg6 : memref<!tpu.dma_semaphore, #tpu.memory_space<semaphore_mem>>)
    }
    %scan3A_186 = arith.constant 14 : i32
    %add3A_187 = arith.constant 480 : i32
    %add3A_188 = arith.addi %mul3A_34, %add3A_187 : i32
    %dma_wait3A_189 = arith.constant 0 : i32
    %dma_wait3A_190 = arith.constant 0 : i32
    %dma_wait3A_191 = arith.constant 0 : i32
    %dma_wait3A_192 = tpu.memref_slice %arg4[%arg1, %dma_wait3A_189, %dma_wait3A_190, %dma_wait3A_191] : memref<16x4x8x2048xf32, #tpu.memory_space<vmem_shared>> -> memref<1x1x8x2048xf32, #tpu.memory_space<vmem_shared>>
    %dma_wait3A_193 = tpu.memref_squeeze %dma_wait3A_192 : memref<1x1x8x2048xf32, #tpu.memory_space<vmem_shared>> -> memref<8x2048xf32, #tpu.memory_space<vmem_shared>>
    %dma_wait3A_194 = arith.constant 0 : i32
    %dma_wait3A_195 = tpu.memref_slice %arg2[%add3A_188, %dma_wait3A_194] : memref<16384x2048xf32, #tpu.memory_space<hbm>> -> memref<8x2048xf32, #tpu.memory_space<hbm>>
    tpu.wait_dma2 semaphore(%arg5 : memref<!tpu.dma_semaphore, #tpu.memory_space<semaphore_mem>>) src(%dma_wait3A_195 : memref<8x2048xf32, #tpu.memory_space<hbm>>) dst(%dma_wait3A_193 : memref<8x2048xf32, #tpu.memory_space<vmem_shared>>)
    %add3A_196 = arith.constant 480 : i32
    %add3A_197 = arith.addi %mul3A_32, %add3A_196 : i32
    %dma_start3A_198 = arith.constant 0 : i32
    %dma_start3A_199 = arith.constant 0 : i32
    %dma_start3A_200 = tpu.memref_slice %arg3[%select_n3A, %add3A_197, %dma_start3A_199] : memref<4x4096x2048xf32, #tpu.memory_space<hbm>> -> memref<1x8x2048xf32, #tpu.memory_space<hbm>>
    %dma_start3A_201 = tpu.memref_squeeze %dma_start3A_200 : memref<1x8x2048xf32, #tpu.memory_space<hbm>> -> memref<8x2048xf32, #tpu.memory_space<hbm>>
    %dma_start3A_202 = arith.constant 0 : i32
    %dma_start3A_203 = arith.constant 0 : i32
    %dma_start3A_204 = tpu.memref_slice %arg4[%arg1, %dma_start3A_198, %dma_start3A_202, %dma_start3A_203] : memref<16x4x8x2048xf32, #tpu.memory_space<vmem_shared>> -> memref<1x1x8x2048xf32, #tpu.memory_space<vmem_shared>>
    %dma_start3A_205 = tpu.memref_squeeze %dma_start3A_204 : memref<1x1x8x2048xf32, #tpu.memory_space<vmem_shared>> -> memref<8x2048xf32, #tpu.memory_space<vmem_shared>>
    tpu.enqueue_dma source(%dma_start3A_205 : memref<8x2048xf32, #tpu.memory_space<vmem_shared>>) target(%dma_start3A_201 : memref<8x2048xf32, #tpu.memory_space<hbm>>) target_semaphore(%arg9 : memref<!tpu.dma_semaphore, #tpu.memory_space<semaphore_mem>>)
    %add3A_206 = arith.constant 464 : i32
    %add3A_207 = arith.addi %mul3A_32, %add3A_206 : i32
    %dma_wait3A_208 = arith.constant 2 : i32
    %dma_wait3A_209 = arith.constant 0 : i32
    %dma_wait3A_210 = tpu.memref_slice %arg3[%select_n3A, %add3A_207, %dma_wait3A_209] : memref<4x4096x2048xf32, #tpu.memory_space<hbm>> -> memref<1x8x2048xf32, #tpu.memory_space<hbm>>
    %dma_wait3A_211 = tpu.memref_squeeze %dma_wait3A_210 : memref<1x8x2048xf32, #tpu.memory_space<hbm>> -> memref<8x2048xf32, #tpu.memory_space<hbm>>
    %dma_wait3A_212 = arith.constant 0 : i32
    %dma_wait3A_213 = arith.constant 0 : i32
    %dma_wait3A_214 = tpu.memref_slice %arg4[%arg1, %dma_wait3A_208, %dma_wait3A_212, %dma_wait3A_213] : memref<16x4x8x2048xf32, #tpu.memory_space<vmem_shared>> -> memref<1x1x8x2048xf32, #tpu.memory_space<vmem_shared>>
    %dma_wait3A_215 = tpu.memref_squeeze %dma_wait3A_214 : memref<1x1x8x2048xf32, #tpu.memory_space<vmem_shared>> -> memref<8x2048xf32, #tpu.memory_space<vmem_shared>>
    tpu.wait_dma2 semaphore(%arg11 : memref<!tpu.dma_semaphore, #tpu.memory_space<semaphore_mem>>) src(%dma_wait3A_215 : memref<8x2048xf32, #tpu.memory_space<vmem_shared>>) dst(%dma_wait3A_211 : memref<8x2048xf32, #tpu.memory_space<hbm>>)
    %add3A_216 = arith.constant 496 : i32
    %add3A_217 = arith.addi %mul3A_34, %add3A_216 : i32
    %dma_start3A_218 = arith.constant 2 : i32
    %dma_start3A_219 = arith.constant 0 : i32
    %dma_start3A_220 = arith.constant 0 : i32
    %dma_start3A_221 = tpu.memref_slice %arg4[%arg1, %dma_start3A_218, %dma_start3A_219, %dma_start3A_220] : memref<16x4x8x2048xf32, #tpu.memory_space<vmem_shared>> -> memref<1x1x8x2048xf32, #tpu.memory_space<vmem_shared>>
    %dma_start3A_222 = tpu.memref_squeeze %dma_start3A_221 : memref<1x1x8x2048xf32, #tpu.memory_space<vmem_shared>> -> memref<8x2048xf32, #tpu.memory_space<vmem_shared>>
    %dma_start3A_223 = arith.constant 0 : i32
    %dma_start3A_224 = tpu.memref_slice %arg2[%add3A_217, %dma_start3A_223] : memref<16384x2048xf32, #tpu.memory_space<hbm>> -> memref<8x2048xf32, #tpu.memory_space<hbm>>
    tpu.enqueue_dma source(%dma_start3A_224 : memref<8x2048xf32, #tpu.memory_space<hbm>>) target(%dma_start3A_222 : memref<8x2048xf32, #tpu.memory_space<vmem_shared>>) target_semaphore(%arg7 : memref<!tpu.dma_semaphore, #tpu.memory_space<semaphore_mem>>)
    %add3A_225 = arith.constant 488 : i32
    %add3A_226 = arith.addi %mul3A_34, %add3A_225 : i32
    %dma_wait3A_227 = arith.constant 1 : i32
    %dma_wait3A_228 = arith.constant 0 : i32
    %dma_wait3A_229 = arith.constant 0 : i32
    %dma_wait3A_230 = tpu.memref_slice %arg4[%arg1, %dma_wait3A_227, %dma_wait3A_228, %dma_wait3A_229] : memref<16x4x8x2048xf32, #tpu.memory_space<vmem_shared>> -> memref<1x1x8x2048xf32, #tpu.memory_space<vmem_shared>>
    %dma_wait3A_231 = tpu.memref_squeeze %dma_wait3A_230 : memref<1x1x8x2048xf32, #tpu.memory_space<vmem_shared>> -> memref<8x2048xf32, #tpu.memory_space<vmem_shared>>
    %dma_wait3A_232 = arith.constant 0 : i32
    %dma_wait3A_233 = tpu.memref_slice %arg2[%add3A_226, %dma_wait3A_232] : memref<16384x2048xf32, #tpu.memory_space<hbm>> -> memref<8x2048xf32, #tpu.memory_space<hbm>>
    tpu.wait_dma2 semaphore(%arg6 : memref<!tpu.dma_semaphore, #tpu.memory_space<semaphore_mem>>) src(%dma_wait3A_233 : memref<8x2048xf32, #tpu.memory_space<hbm>>) dst(%dma_wait3A_231 : memref<8x2048xf32, #tpu.memory_space<vmem_shared>>)
    %add3A_234 = arith.constant 488 : i32
    %add3A_235 = arith.addi %mul3A_32, %add3A_234 : i32
    %dma_start3A_236 = arith.constant 1 : i32
    %dma_start3A_237 = arith.constant 0 : i32
    %dma_start3A_238 = tpu.memref_slice %arg3[%select_n3A, %add3A_235, %dma_start3A_237] : memref<4x4096x2048xf32, #tpu.memory_space<hbm>> -> memref<1x8x2048xf32, #tpu.memory_space<hbm>>
    %dma_start3A_239 = tpu.memref_squeeze %dma_start3A_238 : memref<1x8x2048xf32, #tpu.memory_space<hbm>> -> memref<8x2048xf32, #tpu.memory_space<hbm>>
    %dma_start3A_240 = arith.constant 0 : i32
    %dma_start3A_241 = arith.constant 0 : i32
    %dma_start3A_242 = tpu.memref_slice %arg4[%arg1, %dma_start3A_236, %dma_start3A_240, %dma_start3A_241] : memref<16x4x8x2048xf32, #tpu.memory_space<vmem_shared>> -> memref<1x1x8x2048xf32, #tpu.memory_space<vmem_shared>>
    %dma_start3A_243 = tpu.memref_squeeze %dma_start3A_242 : memref<1x1x8x2048xf32, #tpu.memory_space<vmem_shared>> -> memref<8x2048xf32, #tpu.memory_space<vmem_shared>>
    tpu.enqueue_dma source(%dma_start3A_243 : memref<8x2048xf32, #tpu.memory_space<vmem_shared>>) target(%dma_start3A_239 : memref<8x2048xf32, #tpu.memory_space<hbm>>) target_semaphore(%arg10 : memref<!tpu.dma_semaphore, #tpu.memory_space<semaphore_mem>>)
    %add3A_244 = arith.constant 472 : i32
    %add3A_245 = arith.addi %mul3A_32, %add3A_244 : i32
    %dma_wait3A_246 = arith.constant 3 : i32
    %dma_wait3A_247 = arith.constant 0 : i32
    %dma_wait3A_248 = tpu.memref_slice %arg3[%select_n3A, %add3A_245, %dma_wait3A_247] : memref<4x4096x2048xf32, #tpu.memory_space<hbm>> -> memref<1x8x2048xf32, #tpu.memory_space<hbm>>
    %dma_wait3A_249 = tpu.memref_squeeze %dma_wait3A_248 : memref<1x8x2048xf32, #tpu.memory_space<hbm>> -> memref<8x2048xf32, #tpu.memory_space<hbm>>
    %dma_wait3A_250 = arith.constant 0 : i32
    %dma_wait3A_251 = arith.constant 0 : i32
    %dma_wait3A_252 = tpu.memref_slice %arg4[%arg1, %dma_wait3A_246, %dma_wait3A_250, %dma_wait3A_251] : memref<16x4x8x2048xf32, #tpu.memory_space<vmem_shared>> -> memref<1x1x8x2048xf32, #tpu.memory_space<vmem_shared>>
    %dma_wait3A_253 = tpu.memref_squeeze %dma_wait3A_252 : memref<1x1x8x2048xf32, #tpu.memory_space<vmem_shared>> -> memref<8x2048xf32, #tpu.memory_space<vmem_shared>>
    tpu.wait_dma2 semaphore(%arg12 : memref<!tpu.dma_semaphore, #tpu.memory_space<semaphore_mem>>) src(%dma_wait3A_253 : memref<8x2048xf32, #tpu.memory_space<vmem_shared>>) dst(%dma_wait3A_249 : memref<8x2048xf32, #tpu.memory_space<hbm>>)
    %add3A_254 = arith.constant 504 : i32
    %add3A_255 = arith.addi %mul3A_34, %add3A_254 : i32
    %dma_start3A_256 = arith.constant 3 : i32
    %dma_start3A_257 = arith.constant 0 : i32
    %dma_start3A_258 = arith.constant 0 : i32
    %dma_start3A_259 = tpu.memref_slice %arg4[%arg1, %dma_start3A_256, %dma_start3A_257, %dma_start3A_258] : memref<16x4x8x2048xf32, #tpu.memory_space<vmem_shared>> -> memref<1x1x8x2048xf32, #tpu.memory_space<vmem_shared>>
    %dma_start3A_260 = tpu.memref_squeeze %dma_start3A_259 : memref<1x1x8x2048xf32, #tpu.memory_space<vmem_shared>> -> memref<8x2048xf32, #tpu.memory_space<vmem_shared>>
    %dma_start3A_261 = arith.constant 0 : i32
    %dma_start3A_262 = tpu.memref_slice %arg2[%add3A_255, %dma_start3A_261] : memref<16384x2048xf32, #tpu.memory_space<hbm>> -> memref<8x2048xf32, #tpu.memory_space<hbm>>
    tpu.enqueue_dma source(%dma_start3A_262 : memref<8x2048xf32, #tpu.memory_space<hbm>>) target(%dma_start3A_260 : memref<8x2048xf32, #tpu.memory_space<vmem_shared>>) target_semaphore(%arg8 : memref<!tpu.dma_semaphore, #tpu.memory_space<semaphore_mem>>)
    %add3A_263 = arith.constant 496 : i32
    %add3A_264 = arith.addi %mul3A_34, %add3A_263 : i32
    %dma_wait3A_265 = arith.constant 2 : i32
    %dma_wait3A_266 = arith.constant 0 : i32
    %dma_wait3A_267 = arith.constant 0 : i32
    %dma_wait3A_268 = tpu.memref_slice %arg4[%arg1, %dma_wait3A_265, %dma_wait3A_266, %dma_wait3A_267] : memref<16x4x8x2048xf32, #tpu.memory_space<vmem_shared>> -> memref<1x1x8x2048xf32, #tpu.memory_space<vmem_shared>>
    %dma_wait3A_269 = tpu.memref_squeeze %dma_wait3A_268 : memref<1x1x8x2048xf32, #tpu.memory_space<vmem_shared>> -> memref<8x2048xf32, #tpu.memory_space<vmem_shared>>
    %dma_wait3A_270 = arith.constant 0 : i32
    %dma_wait3A_271 = tpu.memref_slice %arg2[%add3A_264, %dma_wait3A_270] : memref<16384x2048xf32, #tpu.memory_space<hbm>> -> memref<8x2048xf32, #tpu.memory_space<hbm>>
    tpu.wait_dma2 semaphore(%arg7 : memref<!tpu.dma_semaphore, #tpu.memory_space<semaphore_mem>>) src(%dma_wait3A_271 : memref<8x2048xf32, #tpu.memory_space<hbm>>) dst(%dma_wait3A_269 : memref<8x2048xf32, #tpu.memory_space<vmem_shared>>)
    %add3A_272 = arith.constant 496 : i32
    %add3A_273 = arith.addi %mul3A_32, %add3A_272 : i32
    %dma_start3A_274 = arith.constant 2 : i32
    %dma_start3A_275 = arith.constant 0 : i32
    %dma_start3A_276 = tpu.memref_slice %arg3[%select_n3A, %add3A_273, %dma_start3A_275] : memref<4x4096x2048xf32, #tpu.memory_space<hbm>> -> memref<1x8x2048xf32, #tpu.memory_space<hbm>>
    %dma_start3A_277 = tpu.memref_squeeze %dma_start3A_276 : memref<1x8x2048xf32, #tpu.memory_space<hbm>> -> memref<8x2048xf32, #tpu.memory_space<hbm>>
    %dma_start3A_278 = arith.constant 0 : i32
    %dma_start3A_279 = arith.constant 0 : i32
    %dma_start3A_280 = tpu.memref_slice %arg4[%arg1, %dma_start3A_274, %dma_start3A_278, %dma_start3A_279] : memref<16x4x8x2048xf32, #tpu.memory_space<vmem_shared>> -> memref<1x1x8x2048xf32, #tpu.memory_space<vmem_shared>>
    %dma_start3A_281 = tpu.memref_squeeze %dma_start3A_280 : memref<1x1x8x2048xf32, #tpu.memory_space<vmem_shared>> -> memref<8x2048xf32, #tpu.memory_space<vmem_shared>>
    tpu.enqueue_dma source(%dma_start3A_281 : memref<8x2048xf32, #tpu.memory_space<vmem_shared>>) target(%dma_start3A_277 : memref<8x2048xf32, #tpu.memory_space<hbm>>) target_semaphore(%arg11 : memref<!tpu.dma_semaphore, #tpu.memory_space<semaphore_mem>>)
    %add3A_282 = arith.constant 480 : i32
    %add3A_283 = arith.addi %mul3A_32, %add3A_282 : i32
    %dma_wait3A_284 = arith.constant 0 : i32
    %dma_wait3A_285 = arith.constant 0 : i32
    %dma_wait3A_286 = tpu.memref_slice %arg3[%select_n3A, %add3A_283, %dma_wait3A_285] : memref<4x4096x2048xf32, #tpu.memory_space<hbm>> -> memref<1x8x2048xf32, #tpu.memory_space<hbm>>
    %dma_wait3A_287 = tpu.memref_squeeze %dma_wait3A_286 : memref<1x8x2048xf32, #tpu.memory_space<hbm>> -> memref<8x2048xf32, #tpu.memory_space<hbm>>
    %dma_wait3A_288 = arith.constant 0 : i32
    %dma_wait3A_289 = arith.constant 0 : i32
    %dma_wait3A_290 = tpu.memref_slice %arg4[%arg1, %dma_wait3A_284, %dma_wait3A_288, %dma_wait3A_289] : memref<16x4x8x2048xf32, #tpu.memory_space<vmem_shared>> -> memref<1x1x8x2048xf32, #tpu.memory_space<vmem_shared>>
    %dma_wait3A_291 = tpu.memref_squeeze %dma_wait3A_290 : memref<1x1x8x2048xf32, #tpu.memory_space<vmem_shared>> -> memref<8x2048xf32, #tpu.memory_space<vmem_shared>>
    tpu.wait_dma2 semaphore(%arg9 : memref<!tpu.dma_semaphore, #tpu.memory_space<semaphore_mem>>) src(%dma_wait3A_291 : memref<8x2048xf32, #tpu.memory_space<vmem_shared>>) dst(%dma_wait3A_287 : memref<8x2048xf32, #tpu.memory_space<hbm>>)
    %add3A_292 = arith.constant 504 : i32
    %add3A_293 = arith.addi %mul3A_34, %add3A_292 : i32
    %dma_wait3A_294 = arith.constant 3 : i32
    %dma_wait3A_295 = arith.constant 0 : i32
    %dma_wait3A_296 = arith.constant 0 : i32
    %dma_wait3A_297 = tpu.memref_slice %arg4[%arg1, %dma_wait3A_294, %dma_wait3A_295, %dma_wait3A_296] : memref<16x4x8x2048xf32, #tpu.memory_space<vmem_shared>> -> memref<1x1x8x2048xf32, #tpu.memory_space<vmem_shared>>
    %dma_wait3A_298 = tpu.memref_squeeze %dma_wait3A_297 : memref<1x1x8x2048xf32, #tpu.memory_space<vmem_shared>> -> memref<8x2048xf32, #tpu.memory_space<vmem_shared>>
    %dma_wait3A_299 = arith.constant 0 : i32
    %dma_wait3A_300 = tpu.memref_slice %arg2[%add3A_293, %dma_wait3A_299] : memref<16384x2048xf32, #tpu.memory_space<hbm>> -> memref<8x2048xf32, #tpu.memory_space<hbm>>
    tpu.wait_dma2 semaphore(%arg8 : memref<!tpu.dma_semaphore, #tpu.memory_space<semaphore_mem>>) src(%dma_wait3A_300 : memref<8x2048xf32, #tpu.memory_space<hbm>>) dst(%dma_wait3A_298 : memref<8x2048xf32, #tpu.memory_space<vmem_shared>>)
    %add3A_301 = arith.constant 504 : i32
    %add3A_302 = arith.addi %mul3A_32, %add3A_301 : i32
    %dma_start3A_303 = arith.constant 3 : i32
    %dma_start3A_304 = arith.constant 0 : i32
    %dma_start3A_305 = tpu.memref_slice %arg3[%select_n3A, %add3A_302, %dma_start3A_304] : memref<4x4096x2048xf32, #tpu.memory_space<hbm>> -> memref<1x8x2048xf32, #tpu.memory_space<hbm>>
    %dma_start3A_306 = tpu.memref_squeeze %dma_start3A_305 : memref<1x8x2048xf32, #tpu.memory_space<hbm>> -> memref<8x2048xf32, #tpu.memory_space<hbm>>
    %dma_start3A_307 = arith.constant 0 : i32
    %dma_start3A_308 = arith.constant 0 : i32
    %dma_start3A_309 = tpu.memref_slice %arg4[%arg1, %dma_start3A_303, %dma_start3A_307, %dma_start3A_308] : memref<16x4x8x2048xf32, #tpu.memory_space<vmem_shared>> -> memref<1x1x8x2048xf32, #tpu.memory_space<vmem_shared>>
    %dma_start3A_310 = tpu.memref_squeeze %dma_start3A_309 : memref<1x1x8x2048xf32, #tpu.memory_space<vmem_shared>> -> memref<8x2048xf32, #tpu.memory_space<vmem_shared>>
    tpu.enqueue_dma source(%dma_start3A_310 : memref<8x2048xf32, #tpu.memory_space<vmem_shared>>) target(%dma_start3A_306 : memref<8x2048xf32, #tpu.memory_space<hbm>>) target_semaphore(%arg12 : memref<!tpu.dma_semaphore, #tpu.memory_space<semaphore_mem>>)
    %add3A_311 = arith.constant 488 : i32
    %add3A_312 = arith.addi %mul3A_32, %add3A_311 : i32
    %dma_wait3A_313 = arith.constant 1 : i32
    %dma_wait3A_314 = arith.constant 0 : i32
    %dma_wait3A_315 = tpu.memref_slice %arg3[%select_n3A, %add3A_312, %dma_wait3A_314] : memref<4x4096x2048xf32, #tpu.memory_space<hbm>> -> memref<1x8x2048xf32, #tpu.memory_space<hbm>>
    %dma_wait3A_316 = tpu.memref_squeeze %dma_wait3A_315 : memref<1x8x2048xf32, #tpu.memory_space<hbm>> -> memref<8x2048xf32, #tpu.memory_space<hbm>>
    %dma_wait3A_317 = arith.constant 0 : i32
    %dma_wait3A_318 = arith.constant 0 : i32
    %dma_wait3A_319 = tpu.memref_slice %arg4[%arg1, %dma_wait3A_313, %dma_wait3A_317, %dma_wait3A_318] : memref<16x4x8x2048xf32, #tpu.memory_space<vmem_shared>> -> memref<1x1x8x2048xf32, #tpu.memory_space<vmem_shared>>
    %dma_wait3A_320 = tpu.memref_squeeze %dma_wait3A_319 : memref<1x1x8x2048xf32, #tpu.memory_space<vmem_shared>> -> memref<8x2048xf32, #tpu.memory_space<vmem_shared>>
    tpu.wait_dma2 semaphore(%arg10 : memref<!tpu.dma_semaphore, #tpu.memory_space<semaphore_mem>>) src(%dma_wait3A_320 : memref<8x2048xf32, #tpu.memory_space<vmem_shared>>) dst(%dma_wait3A_316 : memref<8x2048xf32, #tpu.memory_space<hbm>>)
    %add3A_321 = arith.constant 496 : i32
    %add3A_322 = arith.addi %mul3A_32, %add3A_321 : i32
    %dma_wait3A_323 = arith.constant 2 : i32
    %dma_wait3A_324 = arith.constant 0 : i32
    %dma_wait3A_325 = tpu.memref_slice %arg3[%select_n3A, %add3A_322, %dma_wait3A_324] : memref<4x4096x2048xf32, #tpu.memory_space<hbm>> -> memref<1x8x2048xf32, #tpu.memory_space<hbm>>
    %dma_wait3A_326 = tpu.memref_squeeze %dma_wait3A_325 : memref<1x8x2048xf32, #tpu.memory_space<hbm>> -> memref<8x2048xf32, #tpu.memory_space<hbm>>
    %dma_wait3A_327 = arith.constant 0 : i32
    %dma_wait3A_328 = arith.constant 0 : i32
    %dma_wait3A_329 = tpu.memref_slice %arg4[%arg1, %dma_wait3A_323, %dma_wait3A_327, %dma_wait3A_328] : memref<16x4x8x2048xf32, #tpu.memory_space<vmem_shared>> -> memref<1x1x8x2048xf32, #tpu.memory_space<vmem_shared>>
    %dma_wait3A_330 = tpu.memref_squeeze %dma_wait3A_329 : memref<1x1x8x2048xf32, #tpu.memory_space<vmem_shared>> -> memref<8x2048xf32, #tpu.memory_space<vmem_shared>>
    tpu.wait_dma2 semaphore(%arg11 : memref<!tpu.dma_semaphore, #tpu.memory_space<semaphore_mem>>) src(%dma_wait3A_330 : memref<8x2048xf32, #tpu.memory_space<vmem_shared>>) dst(%dma_wait3A_326 : memref<8x2048xf32, #tpu.memory_space<hbm>>)
    %add3A_331 = arith.constant 504 : i32
    %add3A_332 = arith.addi %mul3A_32, %add3A_331 : i32
    %dma_wait3A_333 = arith.constant 3 : i32
    %dma_wait3A_334 = arith.constant 0 : i32
    %dma_wait3A_335 = tpu.memref_slice %arg3[%select_n3A, %add3A_332, %dma_wait3A_334] : memref<4x4096x2048xf32, #tpu.memory_space<hbm>> -> memref<1x8x2048xf32, #tpu.memory_space<hbm>>
    %dma_wait3A_336 = tpu.memref_squeeze %dma_wait3A_335 : memref<1x8x2048xf32, #tpu.memory_space<hbm>> -> memref<8x2048xf32, #tpu.memory_space<hbm>>
    %dma_wait3A_337 = arith.constant 0 : i32
    %dma_wait3A_338 = arith.constant 0 : i32
    %dma_wait3A_339 = tpu.memref_slice %arg4[%arg1, %dma_wait3A_333, %dma_wait3A_337, %dma_wait3A_338] : memref<16x4x8x2048xf32, #tpu.memory_space<vmem_shared>> -> memref<1x1x8x2048xf32, #tpu.memory_space<vmem_shared>>
    %dma_wait3A_340 = tpu.memref_squeeze %dma_wait3A_339 : memref<1x1x8x2048xf32, #tpu.memory_space<vmem_shared>> -> memref<8x2048xf32, #tpu.memory_space<vmem_shared>>
    tpu.wait_dma2 semaphore(%arg12 : memref<!tpu.dma_semaphore, #tpu.memory_space<semaphore_mem>>) src(%dma_wait3A_340 : memref<8x2048xf32, #tpu.memory_space<vmem_shared>>) dst(%dma_wait3A_336 : memref<8x2048xf32, #tpu.memory_space<hbm>>)
    return
  }
}

</mosaic_0001>

<sc_bundles>
// kernel: kernel.3.cloned.1.call-start
scs
__scs_entry_jumppad:
0x0: {  	(pc) =	sbr.rel $0x88, $3  }
0x1: {  	(tag) =	ssettag $0x0;
	lr =	simm.s32 $0x1  }
0x2: {  	[smem:$0x3FA0] =	sst lr;
	_ =	strace $0xD0000000  }
0x3: {  	_ = 	snop  }
0x4: {  	_ = 	snop  }
0x5: {  	_ = 	snop  }
0x6: {  	_ = 	snop  }
0x7: {  	_ = 	snop  }
__scs_overlays_trampoline_lowered:
0x8: {  	[smem:$0x3FAF] =	sst s0  }
0x9: {  	[smem:$0x3FB0] =	sst s1  }
0xa: {  	[smem:$0x3FB1] =	sst s2  }
0xb: {  	[smem:$0x3FB2] =	sst s3  }
0xc: {  	[smem:$0x3FB3] =	sst s4  }
0xd: {  	[smem:$0x3FB4] =	sst s5  }
0xe: {  	[smem:$0x3FB5] =	sst s6  }
0xf: {  	[smem:$0x3FB6] =	sst s7  }
0x10: {  	[smem:$0x3FB7] =	sst s8  }
0x11: {  	[smem:$0x3FB8] =	sst s9;
	s0 =	simm.s32 @!p0 $0x0  }
0x12: {  	s1 =	sld [smem:$0x3F9E];
	s0 =	simm.s32 @p0 $0x1  }
0x13: {  	[smem:$0x3FB9] =	sst s0;
	s0 =	simm.s32 @!p1 $0x0  }
0x14: {  	s2 =	sld [smem:$0x3F9D];
	s0 =	simm.s32 @p1 $0x1  }
0x15: {  	[smem:$0x3FBA] =	sst s0;
	s0 =	simm.s32 @!p2 $0x0  }
0x16: {  	s3 =	sld [smem:$0x3FDB];
	s0 =	simm.s32 @p2 $0x1  }
0x17: {  	s4 =	simm.s32 $0x1BF5;
	[smem:$0x3FBC] =	sst s0  }
0x18: {  	s0 =	sld [smem:$0x3F9F];
	_ =	swait.ge [sflag:s4], $0x0  }
0x19: {  	s7 =	sld [smem:$0x3FA0]  }
0x1a: {  	s8 =	sadd.s32 $0xFFFFE003, lr  }
0x1b: {  	s9 =	sadd.s32 $0xFFFFFEF7, lr;
	s5 =	simm.s32 $0xFFFFFFFF;
	p2 =	slt.u32 s8, $0xFFFFF086  }
0x1c: {  	p1 =	slt.u32 s9, $0xF7A;
	s5 =	simm.s32 @!p2 $0x0  }
0x1d: {  	s5 =	simm.s32 @p1 $0x1;
	p0 =	seq.s32 s7, s2  }
0x1e: {  	s7 =	smul.u32 @!p0 $0xF7A, s2;
	p2 =	seq.s32 @!p0 s5, $0x0  }
0x1f: {  	s9 =	smul.u32 $0xF7A, s1;
	s8 =	simm.s32 @!p0 $0x1BF5;
	p2 =	por !p2, p0  }
0x20: {  	[sflag:s8] =	ssyncset.s32 @!p0 $0xFFFFF086;
	s6 =	sadd.s32 @!p0 s3, s7;
	s7 =	simm.s32 @!p0 $0x108  }
0x21: {  	s3 =	sadd.s32 s3, s9;
	s6 =	sadd.s32 @!p0 $0x88, s6;
	s7 =	simm.s32 @p2 $0x1082  }
0x22: {  	[simem:s7], [sflag:s8] =	dma.local @!p0 [hbm:s6], $0xF7A  }
0x23: {  	s9 =	sor.u32 $0xD0000000, s2;
	s6 =	simm.s32 $0x108;
	_ =	swait.ge @!p0 [sflag:s8], $0x0  }
0x24: {  	s3 =	sadd.s32 $0x88, s3;
	s6 =	simm.s32 @!p1 $0x1082;
	[sflag:s4] =	ssyncset.s32 $0xFFFFF086  }
0x25: {  	[simem:s6], [sflag:s4] =	dma.local [hbm:s3], $0xF7A  }
0x26: {  	[smem:$0x3FA0] =	sst s1;
	(tag) =	ssettag s2;
	_ =	strace s9  }
0x27: {  	s1 =	sld [smem:$0x3FB0]  }
0x28: {  	s2 =	sld [smem:$0x3FB1]  }
0x29: {  	s4 =	sld [smem:$0x3FB3]  }
0x2a: {  	p0 =	seq.s32 s5, $0x0;
	s5 =	sld [smem:$0x3FB4]  }
0x2b: {  	s6 =	sld [smem:$0x3FB5]  }
0x2c: {  	s7 =	sld [smem:$0x3FB6]  }
0x2d: {  	s3 =	simm.s32 $0x108;
	s8 =	sld [smem:$0x3FB7]  }
0x2e: {  	s3 =	simm.s32 @!p0 $0x1082;
	s9 =	sld [smem:$0x3FB8]  }
0x2f: {  	lr =	sadd.s32 s0, s3;
	s0 =	sld [smem:$0x3FAF]  }
0x30: {  	s3 =	sld [smem:$0x3FB2]  }
0x31: {  	[smem:$0x3FBB] =	sst s10  }
0x32: {  	s10 =	sld [smem:$0x3FB9];
	_ =	sdelay $0x3  }
0x33: {  	p0 =	seq.s32 s10, $0x1;
	s10 =	sld [smem:$0x3FBB];
	_ =	sdelay $0x3  }
0x34: {  	[smem:$0x3FBB] =	sst s10  }
0x35: {  	s10 =	sld [smem:$0x3FBA];
	_ =	sdelay $0x3  }
0x36: {  	p1 =	seq.s32 s10, $0x1;
	s10 =	sld [smem:$0x3FBB];
	_ =	sdelay $0x3  }
0x37: {  	[smem:$0x3FBB] =	sst s10  }
0x38: {  	s10 =	sld [smem:$0x3FBC]  }
0x39: {  	_ = 	snop;
	(pc) =	sbr.ind lr, $3  }
0x3a: {  	_ = 	snop  }
0x3b: {  	_ = 	snop  }
0x3c: {  	p2 =	seq.s32 s10, $0x1;
	s10 =	sld [smem:$0x3FBB]  }
0x3d: {  	_ =	shalt  }
0x3e: {  	_ =	shalt  }
0x3f: {  	_ =	shalt  }
0x40: {  	_ =	shalt  }
0x41: {  	_ =	shalt  }
0x42: {  	_ =	shalt  }
0x43: {  	_ =	shalt  }
0x44: {  	_ =	shalt  }
0x45: {  	_ =	shalt  }
0x46: {  	_ =	shalt  }
0x47: {  	_ =	shalt  }
0x48: {  	_ =	shalt  }
0x49: {  	_ =	shalt  }
0x4a: {  	_ =	shalt  }
0x4b: {  	_ =	shalt  }
0x4c: {  	_ =	shalt  }
0x4d: {  	_ =	shalt  }
0x4e: {  	_ =	shalt  }
0x4f: {  	_ =	shalt  }
0x50: {  	_ =	shalt  }
0x51: {  	_ =	shalt  }
0x52: {  	_ =	shalt  }
0x53: {  	_ =	shalt  }
0x54: {  	_ =	shalt  }
0x55: {  	_ =	shalt  }
0x56: {  	_ =	shalt  }
0x57: {  	_ =	shalt  }
0x58: {  	_ =	shalt  }
0x59: {  	_ =	shalt  }
0x5a: {  	_ =	shalt  }
0x5b: {  	_ =	shalt  }
0x5c: {  	_ =	shalt  }
0x5d: {  	_ =	shalt  }
0x5e: {  	_ =	shalt  }
0x5f: {  	_ =	shalt  }
0x60: {  	_ =	shalt  }
0x61: {  	_ =	shalt  }
0x62: {  	_ =	shalt  }
0x63: {  	_ =	shalt  }
0x64: {  	_ =	shalt  }
0x65: {  	_ =	shalt  }
0x66: {  	_ =	shalt  }
0x67: {  	_ =	shalt  }
0x68: {  	_ =	shalt  }
0x69: {  	_ =	shalt  }
0x6a: {  	_ =	shalt  }
0x6b: {  	_ =	shalt  }
0x6c: {  	_ =	shalt  }
0x6d: {  	_ =	shalt  }
0x6e: {  	_ =	shalt  }
0x6f: {  	_ =	shalt  }
0x70: {  	_ =	shalt  }
0x71: {  	_ =	shalt  }
0x72: {  	_ =	shalt  }
0x73: {  	_ =	shalt  }
0x74: {  	_ =	shalt  }
0x75: {  	_ =	shalt  }
0x76: {  	_ =	shalt  }
0x77: {  	_ =	shalt  }
0x78: {  	_ =	shalt  }
0x79: {  	_ =	shalt  }
0x7a: {  	_ =	shalt  }
0x7b: {  	_ =	shalt  }
0x7c: {  	_ =	shalt  }
0x7d: {  	_ =	shalt  }
0x7e: {  	_ =	shalt  }
0x7f: {  	_ =	shalt  }
0x80: {  	_ =	shalt  }
0x81: {  	_ =	shalt  }
0x82: {  	_ =	shalt  }
0x83: {  	_ =	shalt  }
0x84: {  	_ =	shalt  }
0x85: {  	_ =	shalt  }
0x86: {  	_ =	shalt  }
0x87: {  	_ =	shalt  }
.Lfunc_end0:
.L_simem_size_0:
called_computation_lowered:
.L_overlay_start_0:
0x88: {  	s2 =	sld [smem:$0x3FD9]  }
0x89: {  	s3 =	sld [smem:$0x3FFE];
	_ =	sdelay $0x1  }
0x8a: {  	s1 =	srdreg.scid  }
0x8b: {  	s0 =	sand.u32 $0x1, s1  }
0x8c: {  	s18 =	sshll.u32 s0, $0xA;
	s2 =	sadd.s32 s3, s2  }
0x8d: {  	s2 =	sadd.s32 s2, s18  }
0x8e: {  	[smem:$0x3FC7] =	sst s2  }
0x8f: {  	_ = 	snop  }
0x90: {  	s2 =	sld [smem:$0x3FC9]  }
0x91: {  	s19 =	sld [smem:$0x3FD0];
	(tm) =	ssettm $0x1  }
0x92: {  	s4 =	sld [smem:$0x3FFB];
	_ =	sdelay $0x3  }
0x93: {  	_ =	strace s4  }
0x94: {  	s4 =	sld [smem:$0x3FFC];
	_ =	sdelay $0x3  }
0x95: {  	_ =	strace s4  }
0x96: {  	s4 =	sld [smem:$0x3FFD];
	_ =	sdelay $0x3  }
0x97: {  	_ =	strace s4  }
0x98: {  	_ =	strace $0x8FFFFFFF  }
0x99: {  	s20 =	sld [smem:$0x3FDB];
	_ =	sdelay $0x1  }
0x9a: {  	s5 =	simm.s32 $_scs_section_size  }
0x9b: {  	s6 =	simm.s32 $_size__tile_overlayer_lowered;
	s7 =	simm.s32 $_tile_overlayer_lowered  }
0x9c: {  	s23 =	simm.s32 $0x1BFF;
	s22 =	sshll.u32 s7, $0x1;
	s4 =	sadd.s32 s5, s20  }
0x9d: {  	s8 =	simm.s32 $0x0;
	s21 =	sshll.u32 s6, $0x1;
	s6 =	sadd.s32 s22, s4  }
0x9e: {  	[timem:s8], [sflag:s23] =	dma.local [hbm:s6], s21  }
0x9f: {  	_ =	swait.ge [sflag:s23], s21  }
0xa0: {  	s5 =	ssub.s32 $0x0, s21;
	[sflag:s23] =	ssyncset.done $0x0  }
0xa1: {  	[sflag:s23] =	ssyncadd.s32 s5;
	_ =	sdelay $0x1  }
0xa2: {  	s24 =	simm.s32 $0x1B8B  }
0xa3: {  	_ =	swait.ge [sflag:s24], $0x1  }
0xa4: {  	[sflag:s24] =	ssyncset.done $0x0  }
0xa5: {  	s25 =	simm.s32 $0x1B8E;
	[sflag:s24] =	ssyncadd.s32 $0xFFFFFFFF  }
0xa6: {  	s26 =	simm.s32 $execute0_lowered;
	[smem:$0x3FD2] =	sst s25  }
0xa7: {  	s5 =	sshll.u32 s26, $0x1;
	_ =	strace $0x80000046;
	[dreg:$0x1] =	wrdreg $0xFFFFFFFF  }
0xa8: {  	s28 =	simm.s32 $_size_execute0_lowered;
	s4 =	sadd.s32 s4, s5;
	[dreg:$0x0] =	wrdreg $0x0  }
0xa9: {  	s5 =	sshll.u32 s28, $0x1;
	[dreg:$0x2] =	wrdreg s4  }
0xaa: {  	[dreg:$0x3] =	wrdreg s5  }
0xab: {  	[dreg:$0x4] =	wrdreg $0xC0  }
0xac: {  	_ =	task [dreg:s8], $0x5FFFF  }
0xad: {  	[dreg:$0x1] =	wrdreg $0xFFFFFFFF  }
0xae: {  	[dreg:$0x0] =	wrdreg $0x60  }
0xaf: {  	[dreg:$0x2] =	wrdreg s2  }
0xb0: {  	[dreg:$0x3] =	wrdreg s19  }
0xb1: {  	[dreg:$0x4] =	wrdreg $0x0  }
0xb2: {  	[dreg:$0x5] =	wrdreg $0x9  }
0xb3: {  	_ =	task.clear_ibuf [dreg:s8], $0x6FFFF;
	_ =	strace $0x90000046  }
0xb4: {  	s29 =	simm.s32 $0x9;
	_ =	strace $0x80000048  }
0xb5: {  	_ =	swait.ge [sflag:s29], $0x1  }
0xb6: {  	[sflag:s29] =	ssyncadd.s32 $0xFFFFFFFF  }
0xb7: {  	_ =	strace $0x90000048  }
0xb8: {  	_ =	sfence  }
0xb9: {  	s30 =	sld [smem:$0x0];
	_ =	sdelay $0x2  }
0xba: {  	s31 =	sshll.u32 s1, $0xD;
	s1 =	sshrl.u32 s1, $0x2  }
0xbb: {  	s3 =	sand.u32 $0x4000, s31;
	s1 =	sadd.s32 s1, s30  }
0xbc: {  	s0 =	sor.u32 s3, s0;
	s1 =	sshll.u32 s1, $0x11  }
0xbd: {  	s0 =	sor.u32 s1, s0  }
0xbe: {  	s0 =	sadd.s32 $0x8F2B, s0  }
0xbf: {  	[sflag:s0] =	ssyncadd.remote.s32 $0x1  }
0xc0: {  	_ =	sfence.sel $0xFFFF  }
0xc1: {  	[dreg:$0x0] =	wrdreg $0xFFFFFFFF;
	(pc) =	sbr.abs _section_cstart, $3  }
0xc2: {  	[dreg:$0x1] =	wrdreg $0xFFFFFFFF  }
0xc3: {  	_ =	task.clear_ibuf [dreg:s8], $0x2FFFF;
	_ =	strace $0x9FFFFFFF  }
0xc4: {  	(tm) =	ssettm $0x7FFFFFFF  }
0xc5: {  	_ =	shalt  }
tec
execute0_lowered:
.L_overlay_start_1:
0x0: {  	(tag) =	ssettag $0x1  }
0x1: {  	s0 =	rddreg [dreg:$0x0]  }
0x2: {  	s2 =	rddreg [dreg:$0x1]  }
0x3: {  	s3 =	rddreg [dreg:$0x2]  }
0x4: {  	s1 =	simm.s32 $0x0;
	s4 =	srdreg.scid;
	s9 =	stileid.u32  }
0x5: {  	s28 =	simm.s32 $0x1;
	s29 =	simm.s32 $0x2;
	s30 =	simm.s32 $0x3  }
0x6: {  	s31 =	simm.s32 $0x5;
	[smem:$0x7FF] =	sst s1;
	s7 =	sand.u32 $0x1, s4  }
0x7: {  	s6 =	sshll.u32 s9, $0x1;
	s8 =	sshll.u32 s9, $0x12;
	s18 =	sshll.u32 s9, $0x15  }
0x8: {  	_ =	strace $0x80000047;
	s4 =	ssub.s32 $0x2, s7;
	s16 =	sor.u32 s7, s6  }
0x9: {  	s17 =	sshrl.u32 s8, $0x2;
	s7 =	sshll.u32 s7, $0x11;
	s5 =	sshrl.u32 s4, $0x1  }
0xa: {  	s6 =	sand.u32 $0x7, s16;
	s12 =	sadd.s32 s17, s3;
	s3 =	sand.u32 $0x1800000, s18  }
0xb: {  	s10 =	ssub.s32 s4, s5;
	s19 =	sadd.s32 $0x4000, s12;
	[dreg:$0x8] =	wrdreg s12  }
0xc: {  	s4 =	sshll.u32 s16, $0x11;
	s21 =	sadd.s32 $0x8000, s12;
	[dreg:$0x9] =	wrdreg s19  }
0xd: {  	s12 =	sadd.s32 $0xC000, s12;
	s4 =	sadd.s32 s0, s4;
	[dreg:$0xb] =	wrdreg s21  }
0xe: {  	s6 =	sshll.u32 s6, $0x14;
	[dreg:$0xe] =	wrdreg s12;
	s11 =	sadd.s32 $0x800, s4  }
0xf: {  	s5 =	sshll.u32 s9, $0x6;
	s22 =	sadd.s32 $0x1000, s4;
	[dreg:$0xa] =	wrdreg s11  }
0x10: {  	s3 =	sor.u32 s3, s6;
	s25 =	sadd.s32 $0x1800, s4;
	[dreg:$0xc] =	wrdreg s22  }
0x11: {  	s0 =	sadd.s32 s8, s0;
	s13 =	sadd.s32 $0x2000, s4;
	[dreg:$0xf] =	wrdreg s25  }
0x12: {  	s20 =	sshrl.u32 s3, $0x3;
	s15 =	sadd.s32 $0x2800, s4;
	[dreg:$0x11] =	wrdreg s13  }
0x13: {  	s24 =	sor.u32 $0x10000, s3;
	s0 =	sadd.s32 s7, s0;
	[dreg:$0x13] =	wrdreg s15  }
0x14: {  	s21 =	sadd.s32 $0x1F000, s4;
	s9 =	sadd.s32 s2, s20;
	[dreg:$0x5] =	wrdreg s0  }
0x15: {  	s11 =	sshrl.u32 s24, $0x3;
	[dreg:$0x15] =	wrdreg s21;
	s24 =	sadd.s32 $0x1F800, s4  }
0x16: {  	s6 =	sor.u32 $0x1C01, s5;
	s23 =	sadd.s32 $0x800, s9;
	[dreg:$0x17] =	wrdreg s24  }
0x17: {  	s8 =	simm.s32 $0x8;
	s26 =	sadd.s32 $0x1000, s9;
	[dreg:$0xd] =	wrdreg s23  }
0x18: {  	s16 =	sor.u32 $0x14000, s3;
	s14 =	sadd.s32 $0x1800, s9;
	[dreg:$0x10] =	wrdreg s26  }
0x19: {  	s7 =	simm.s32 $0x7;
	s11 =	sadd.s32 s11, s2;
	[dreg:$0x12] =	wrdreg s14  }
0x1a: {  	s18 =	sshrl.u32 s16, $0x3;
	s17 =	sadd.s32 $0x1E000, s9;
	[dreg:$0x4] =	wrdreg s11  }
0x1b: {  	s20 =	sor.u32 $0x1C000, s3;
	s19 =	sadd.s32 s18, s2;
	[dreg:$0x14] =	wrdreg s17  }
0x1c: {  	s22 =	sshrl.u32 s20, $0x3;
	[dreg:$0x6] =	wrdreg s19;
	s23 =	sadd.s32 $0x1E800, s9  }
0x1d: {  	s3 =	sor.u32 $0x18000, s3;
	s0 =	sadd.s32 s22, s2;
	[dreg:$0x16] =	wrdreg s23  }
0x1e: {  	s25 =	sshrl.u32 s3, $0x3;
	s26 =	sadd.s32 $0x1F000, s9;
	[dreg:$0x7] =	wrdreg s0  }
0x1f: {  	s23 =	sadd.s32 s25, s2;
	[dreg:$0x18] =	wrdreg s26;
	s25 =	smax.u32 s10, $0x1  }
0x20: {  	s26 =	sadd.s32 $0x1F800, s9;
	s0 =	simm.s32 $0x4;
	s2 =	simm.s32 $0x6  }
.LBB2_1:
0x21: {  	s3 =	rddreg [dreg:$0x8]  }
0x22: {  	s13 =	sshrl.u32 s3, $0x3  }
0x23: {  	[spmem:s13], [sflag:s6] =	dma.local [hbm:s4], $0x800  }
0x24: {  	s16 =	rddreg [dreg:$0x9]  }
0x25: {  	s14 =	sor.u32 $0x1C02, s5;
	s17 =	rddreg [dreg:$0xa];
	s10 =	sshrl.u32 s16, $0x3  }
0x26: {  	[spmem:s10], [sflag:s14] =	dma.local [hbm:s17], $0x800  }
0x27: {  	_ =	swait.ge [sflag:s28], $0x800  }
0x28: {  	[sflag:s28] =	ssyncset.done $0x0  }
0x29: {  	s17 =	sor.u32 $0x1C05, s5;
	[sflag:s28] =	ssyncadd.s32 $0xFFFFF800  }
0x2a: {  	[hbm:s9], [sflag:s17] =	dma.local [spmem:s13], $0x800  }
0x2b: {  	s18 =	rddreg [dreg:$0xb]  }
0x2c: {  	s15 =	sor.u32 $0x1C03, s5;
	s19 =	rddreg [dreg:$0xc];
	s11 =	sshrl.u32 s18, $0x3  }
0x2d: {  	[spmem:s11], [sflag:s15] =	dma.local [hbm:s19], $0x800  }
0x2e: {  	_ =	swait.ge [sflag:s29], $0x800  }
0x2f: {  	[sflag:s29] =	ssyncset.done $0x0  }
0x30: {  	s18 =	sor.u32 $0x1C06, s5;
	s20 =	rddreg [dreg:$0xd];
	[sflag:s29] =	ssyncadd.s32 $0xFFFFF800  }
0x31: {  	[hbm:s20], [sflag:s18] =	dma.local [spmem:s10], $0x800  }
0x32: {  	s3 =	rddreg [dreg:$0xe]  }
0x33: {  	s16 =	sor.u32 $0x1C04, s5;
	s21 =	rddreg [dreg:$0xf];
	s12 =	sshrl.u32 s3, $0x3  }
0x34: {  	[spmem:s12], [sflag:s16] =	dma.local [hbm:s21], $0x800  }
0x35: {  	_ =	swait.ge [sflag:s30], $0x800  }
0x36: {  	[sflag:s30] =	ssyncset.done $0x0  }
0x37: {  	s3 =	sor.u32 $0x1C07, s5;
	s19 =	rddreg [dreg:$0x10];
	[sflag:s30] =	ssyncadd.s32 $0xFFFFF800  }
0x38: {  	[hbm:s19], [sflag:s3] =	dma.local [spmem:s11], $0x800  }
0x39: {  	_ =	swait.ge [sflag:s31], $0x800  }
0x3a: {  	[sflag:s31] =	ssyncset.done $0x0  }
0x3b: {  	s22 =	rddreg [dreg:$0x11];
	[sflag:s31] =	ssyncadd.s32 $0xFFFFF800  }
0x3c: {  	[spmem:s13], [sflag:s6] =	dma.local [hbm:s22], $0x800  }
0x3d: {  	_ =	swait.ge [sflag:s0], $0x800  }
0x3e: {  	[sflag:s0] =	ssyncset.done $0x0  }
0x3f: {  	s19 =	sor.u32 $0x1C08, s5;
	s20 =	rddreg [dreg:$0x12];
	[sflag:s0] =	ssyncadd.s32 $0xFFFFF800  }
0x40: {  	[hbm:s20], [sflag:s19] =	dma.local [spmem:s12], $0x800  }
0x41: {  	_ =	swait.ge [sflag:s2], $0x800  }
0x42: {  	[sflag:s2] =	ssyncset.done $0x0  }
0x43: {  	s24 =	rddreg [dreg:$0x13];
	[sflag:s2] =	ssyncadd.s32 $0xFFFFF800  }
0x44: {  	[spmem:s10], [sflag:s14] =	dma.local [hbm:s24], $0x800  }
0x45: {  	_ =	swait.ge [sflag:s28], $0x800  }
0x46: {  	s21 =	rddreg [dreg:$0x4];
	[sflag:s28] =	ssyncset.done $0x0  }
0x47: {  	[sflag:s28] =	ssyncadd.s32 $0xFFFFF800;
	s20 =	sadd.s32 $0x0, s21  }
0x48: {  	[hbm:s20], [sflag:s17] =	dma.local [spmem:s13], $0x800  }
0x49: {  	_ =	swait.ge [sflag:s7], $0x800  }
0x4a: {  	s22 =	rddreg [dreg:$0x5]  }
0x4b: {  	[sflag:s7] =	ssyncset.done $0x0;
	s21 =	sadd.s32 $0x0, s22  }
0x4c: {  	[sflag:s7] =	ssyncadd.s32 $0xFFFFF800;
	s20 =	sadd.s32 $0x3000, s21  }
0x4d: {  	[spmem:s11], [sflag:s15] =	dma.local [hbm:s20], $0x800  }
0x4e: {  	_ =	swait.ge [sflag:s29], $0x800  }
0x4f: {  	s24 =	rddreg [dreg:$0x6];
	[sflag:s29] =	ssyncset.done $0x0  }
0x50: {  	[sflag:s29] =	ssyncadd.s32 $0xFFFFF800;
	s20 =	sadd.s32 $0x0, s24  }
0x51: {  	[hbm:s20], [sflag:s18] =	dma.local [spmem:s10], $0x800  }
0x52: {  	_ =	swait.ge [sflag:s8], $0x800  }
0x53: {  	[sflag:s8] =	ssyncset.done $0x0  }
0x54: {  	s22 =	sadd.s32 $0x3800, s21;
	[sflag:s8] =	ssyncadd.s32 $0xFFFFF800  }
0x55: {  	[spmem:s12], [sflag:s16] =	dma.local [hbm:s22], $0x800  }
0x56: {  	_ =	swait.ge [sflag:s30], $0x800  }
0x57: {  	[sflag:s30] =	ssyncset.done $0x0  }
0x58: {  	s24 =	sadd.s32 $0x0, s23;
	[sflag:s30] =	ssyncadd.s32 $0xFFFFF800  }
0x59: {  	[hbm:s24], [sflag:s3] =	dma.local [spmem:s11], $0x800  }
0x5a: {  	_ =	swait.ge [sflag:s31], $0x800  }
0x5b: {  	[sflag:s31] =	ssyncset.done $0x0  }
0x5c: {  	s22 =	sadd.s32 $0x4000, s21;
	[sflag:s31] =	ssyncadd.s32 $0xFFFFF800  }
0x5d: {  	[spmem:s13], [sflag:s6] =	dma.local [hbm:s22], $0x800  }
0x5e: {  	_ =	swait.ge [sflag:s0], $0x800  }
0x5f: {  	s24 =	rddreg [dreg:$0x7];
	[sflag:s0] =	ssyncset.done $0x0  }
0x60: {  	[sflag:s0] =	ssyncadd.s32 $0xFFFFF800;
	s20 =	sadd.s32 $0x0, s24  }
0x61: {  	[hbm:s20], [sflag:s19] =	dma.local [spmem:s12], $0x800  }
0x62: {  	_ =	swait.ge [sflag:s2], $0x800  }
0x63: {  	[sflag:s2] =	ssyncset.done $0x0  }
0x64: {  	s21 =	sadd.s32 $0x4800, s21;
	s20 =	simm.s32 $0x2000;
	[sflag:s2] =	ssyncadd.s32 $0xFFFFF800  }
.LBB2_2:
0x65: {  	[spmem:s10], [sflag:s14] =	dma.local [hbm:s21], $0x800  }
0x66: {  	_ =	swait.ge [sflag:s28], $0x800  }
0x67: {  	s21 =	smov.u32 s20;
	[sflag:s28] =	ssyncset.done $0x0;
	s22 =	rddreg [dreg:$0x4]  }
0x68: {  	[sflag:s28] =	ssyncadd.s32 $0xFFFFF800;
	s22 =	sadd.s32 s21, s22  }
0x69: {  	[hbm:s22], [sflag:s17] =	dma.local [spmem:s13], $0x800  }
0x6a: {  	_ =	swait.ge [sflag:s7], $0x800  }
0x6b: {  	s24 =	rddreg [dreg:$0x5]  }
0x6c: {  	[sflag:s7] =	ssyncset.done $0x0;
	s22 =	sadd.s32 s21, s24  }
0x6d: {  	[sflag:s7] =	ssyncadd.s32 $0xFFFFF800;
	s24 =	sadd.s32 $0x3000, s22  }
0x6e: {  	[spmem:s11], [sflag:s15] =	dma.local [hbm:s24], $0x800  }
0x6f: {  	_ =	swait.ge [sflag:s29], $0x800  }
0x70: {  	[sflag:s29] =	ssyncset.done $0x0;
	s24 =	rddreg [dreg:$0x6]  }
0x71: {  	[sflag:s29] =	ssyncadd.s32 $0xFFFFF800;
	s24 =	sadd.s32 s21, s24  }
0x72: {  	[hbm:s24], [sflag:s18] =	dma.local [spmem:s10], $0x800  }
0x73: {  	_ =	swait.ge [sflag:s8], $0x800  }
0x74: {  	[sflag:s8] =	ssyncset.done $0x0  }
0x75: {  	s24 =	sadd.s32 $0x3800, s22;
	[sflag:s8] =	ssyncadd.s32 $0xFFFFF800  }
0x76: {  	[spmem:s12], [sflag:s16] =	dma.local [hbm:s24], $0x800  }
0x77: {  	_ =	swait.ge [sflag:s30], $0x800  }
0x78: {  	[sflag:s30] =	ssyncset.done $0x0  }
0x79: {  	s24 =	sadd.s32 s21, s23;
	[sflag:s30] =	ssyncadd.s32 $0xFFFFF800  }
0x7a: {  	[hbm:s24], [sflag:s3] =	dma.local [spmem:s11], $0x800  }
0x7b: {  	_ =	swait.ge [sflag:s31], $0x800  }
0x7c: {  	[sflag:s31] =	ssyncset.done $0x0  }
0x7d: {  	s24 =	sadd.s32 $0x4000, s22;
	[sflag:s31] =	ssyncadd.s32 $0xFFFFF800  }
0x7e: {  	[spmem:s13], [sflag:s6] =	dma.local [hbm:s24], $0x800  }
0x7f: {  	_ =	swait.ge [sflag:s0], $0x800  }
0x80: {  	p0 =	sne.s32 s20, $0x1A000;
	[sflag:s0] =	ssyncset.done $0x0;
	s24 =	rddreg [dreg:$0x7]  }
.Ltmp0:
0x81: {  	[sflag:s0] =	ssyncadd.s32 $0xFFFFF800;
	s21 =	sadd.s32 s21, s24;
	(pc) =	sbr.rel @p0 .LBB2_2-.Ltmp0, $4  }
0x82: {  	[hbm:s21], [sflag:s19] =	dma.local [spmem:s12], $0x800  }
0x83: {  	_ =	swait.ge [sflag:s2], $0x800  }
0x84: {  	[sflag:s2] =	ssyncset.done $0x0  }
0x85: {  	s20 =	sadd.s32 $0x2000, s20;
	s21 =	sadd.s32 $0x4800, s22;
	[sflag:s2] =	ssyncadd.s32 $0xFFFFF800  }
0x86: {  	[spmem:s10], [sflag:s14] =	dma.local [hbm:s21], $0x800  }
0x87: {  	_ =	swait.ge [sflag:s28], $0x800  }
0x88: {  	[sflag:s28] =	ssyncset.done $0x0  }
0x89: {  	s24 =	rddreg [dreg:$0x14];
	[sflag:s28] =	ssyncadd.s32 $0xFFFFF800  }
0x8a: {  	[hbm:s24], [sflag:s17] =	dma.local [spmem:s13], $0x800  }
0x8b: {  	_ =	swait.ge [sflag:s7], $0x800  }
0x8c: {  	[sflag:s7] =	ssyncset.done $0x0  }
0x8d: {  	s20 =	rddreg [dreg:$0x15];
	[sflag:s7] =	ssyncadd.s32 $0xFFFFF800  }
0x8e: {  	[spmem:s11], [sflag:s15] =	dma.local [hbm:s20], $0x800  }
0x8f: {  	_ =	swait.ge [sflag:s29], $0x800  }
0x90: {  	[sflag:s29] =	ssyncset.done $0x0  }
0x91: {  	s21 =	rddreg [dreg:$0x16];
	[sflag:s29] =	ssyncadd.s32 $0xFFFFF800  }
0x92: {  	[hbm:s21], [sflag:s18] =	dma.local [spmem:s10], $0x800  }
0x93: {  	_ =	swait.ge [sflag:s8], $0x800  }
0x94: {  	[sflag:s8] =	ssyncset.done $0x0  }
0x95: {  	s22 =	rddreg [dreg:$0x17];
	[sflag:s8] =	ssyncadd.s32 $0xFFFFF800  }
0x96: {  	[spmem:s12], [sflag:s16] =	dma.local [hbm:s22], $0x800  }
0x97: {  	_ =	swait.ge [sflag:s30], $0x800  }
0x98: {  	[sflag:s30] =	ssyncset.done $0x0  }
0x99: {  	s24 =	rddreg [dreg:$0x18];
	[sflag:s30] =	ssyncadd.s32 $0xFFFFF800  }
0x9a: {  	[hbm:s24], [sflag:s3] =	dma.local [spmem:s11], $0x800  }
0x9b: {  	_ =	swait.ge [sflag:s31], $0x800  }
0x9c: {  	[sflag:s31] =	ssyncset.done $0x0  }
0x9d: {  	[sflag:s31] =	ssyncadd.s32 $0xFFFFF800  }
0x9e: {  	_ =	swait.ge [sflag:s0], $0x800  }
0x9f: {  	[sflag:s0] =	ssyncset.done $0x0  }
0xa0: {  	[sflag:s0] =	ssyncadd.s32 $0xFFFFF800  }
0xa1: {  	[hbm:s26], [sflag:s19] =	dma.local [spmem:s12], $0x800  }
0xa2: {  	_ =	swait.ge [sflag:s2], $0x800  }
0xa3: {  	[sflag:s2] =	ssyncset.done $0x0  }
0xa4: {  	s1 =	sadd.s32 $0x1, s1;
	[sflag:s2] =	ssyncadd.s32 $0xFFFFF800  }
0xa5: {  	p0 =	sne.s32 s1, s25;
	_ =	swait.ge [sflag:s7], $0x800  }
.Ltmp1:
0xa6: {  	[sflag:s7] =	ssyncset.done $0x0;
	(pc) =	sbr.rel @p0 .LBB2_1-.Ltmp1, $4  }
0xa7: {  	[sflag:s7] =	ssyncadd.s32 $0xFFFFF800  }
0xa8: {  	_ =	swait.ge [sflag:s8], $0x800  }
0xa9: {  	[sflag:s8] =	ssyncset.done $0x0  }
0xaa: {  	[sflag:s8] =	ssyncadd.s32 $0xFFFFF800  }
0xab: {  	_ =	sfence.sel $0x180000  }
0xac: {  	[bflag:$0x0] =	sbarrier.arrive $0xFFFF  }
0xad: {  	_ =	strace $0x90000047  }
0xae: {  	s0 =	stileid.u32;
	[bflag:$0x2] =	sbarrier.arrive $0xFFFF  }
0xaf: {  	p0 =	sne.s32 s0, $0x0;
	s0 =	rddreg [dreg:$0x3]  }
0xb0: {  	s0 =	sadd.s32 @!p0 $0x100000, s0  }
0xb1: {  	[sflag:s0] =	ssyncadd.tile.s32 @!p0 $0x1;
	_ =	shalt  }
.Lfunc_end2:
_tile_overlayer_lowered:
.L_overlay_start_2:
0xb2: {  	(tag) =	ssettag $0x2  }
0xb3: {  	s0 =	rddreg [dreg:$0x0];
	s2 =	stileid.u32  }
0xb4: {  	s1 =	rddreg [dreg:$0x1];
	p0 =	sne.s32 s2, $0x0  }
0xb5: {  	s3 =	rddreg [dreg:$0x2];
	[bflag:$0x3] =	sbarrier.arrive $0xFFFF;
	s2 =	simm.s32 @!p0 $0x1C09  }
0xb6: {  	[timem:s3], [sflag:s2] =	dma.local @!p0 [hbm:s0], s1  }
0xb7: {  	s0 =	simm.s32 @!p0 $0x9  }
0xb8: {  	_ =	swait.ge @!p0 [sflag:s0], s1  }
0xb9: {  	s1 =	ssub.s32 @!p0 $0x0, s1;
	[sflag:s0] =	ssyncset.done @!p0 $0x0  }
0xba: {  	[sflag:s0] =	ssyncadd.s32 @!p0 s1  }
0xbb: {  	[bflag:$0x3] =	sbarrier.arrive $0xFFFF  }
0xbc: {  	_ =	shalt  }

</sc_bundles>
